<compile_context>
chip_gen: v7x
topology: tpu7x:2x2x1
jax: 0.10.2.dev20260603
libtpu: 0.0.44.dev20260713+nightly
codegen_flags: <defaults>
</compile_context>

<pallas_src>
import functools

import jax
import jax.numpy as jnp
from jax import lax
from jax.experimental import pallas as pl
from jax.experimental.pallas import tpu as pltpu
from jax.experimental.pallas import tpu_sc as plsc

NC = 2
NS = 16
L = 16
NW = NC * NS

N = 32768
D = 1024
TPW = N // NW
K = 32
G = TPW // K
LOOP_CHUNKS = 3 * ((G - 2) // 3)


@functools.partial(
    pl.kernel,
    out_type=(
        jax.ShapeDtypeStruct((N, D), jnp.float32),
        jax.ShapeDtypeStruct((N, D), jnp.float32),
    ),
    mesh=plsc.VectorSubcoreMesh(core_axis_name="c", subcore_axis_name="s"),
    scratch_types=[
        pltpu.VMEM((TPW,), jnp.int32),
        pltpu.VMEM((TPW,), jnp.float32),
        pltpu.VMEM((TPW,), jnp.float32),
        pltpu.VMEM((3, K, D), jnp.float32),
        pltpu.SemaphoreType.DMA,
        pltpu.SemaphoreType.DMA,
        pltpu.SemaphoreType.DMA,
        pltpu.SemaphoreType.DMA,
        pltpu.SemaphoreType.DMA,
        pltpu.SemaphoreType.DMA,
        pltpu.SemaphoreType.DMA,
        pltpu.SemaphoreType.DMA,
        pltpu.SemaphoreType.DMA,
    ],
)
def _select_rows(x_hbm, mask_hbm, out1_hbm, out2_hbm, idx_v, m0_v, m1_v,
                 rows_v, sem_in0, sem_in1, sem_in2,
                 sem_a0, sem_a1, sem_a2, sem_b0, sem_b1, sem_b2):
    wid = lax.axis_index("s") * NC + lax.axis_index("c")
    base = wid * TPW

    m0_copy = pltpu.make_async_copy(mask_hbm.at[pl.ds(base, TPW)], m0_v,
                                    sem_a0)
    m1_copy = pltpu.make_async_copy(mask_hbm.at[pl.ds(N + base, TPW)], m1_v,
                                    sem_b0)
    m0_copy.start()
    m1_copy.start()
    m0_copy.wait()
    m1_copy.wait()

    def compute_idx(g):
        for j in range(K // L):
            o = g * K + j * L
            m0 = m0_v[pl.ds(o, L)]
            m1 = m1_v[pl.ds(o, L)]
            sel = jnp.where(m0 >= m1, jnp.zeros((L,), jnp.int32),
                            jnp.full((L,), N, jnp.int32))
            idx_v[pl.ds(o, L)] = base + o + lax.iota(jnp.int32, L) + sel

    sem_in = (sem_in0, sem_in1, sem_in2)
    sem_a = (sem_a0, sem_a1, sem_a2)
    sem_b = (sem_b0, sem_b1, sem_b2)

    def gather_dma(g, s):
        return pltpu.make_async_copy(
            x_hbm.at[idx_v.at[pl.ds(g * K, K)]], rows_v.at[s], sem_in[s])

    def store_dma(g, s, out_hbm, sem):
        return pltpu.make_async_copy(
            rows_v.at[s], out_hbm.at[pl.ds(base + g * K, K)], sem[s])

    def chunk_step(g, s):
        so = (s + 2) % 3

        gather_dma(g, s).wait()
        store_dma(g, s, out1_hbm, sem_a).start()

        @pl.when(g + 2 < G)
        def _():
            compute_idx(g + 2)

            @pl.when(g >= 1)
            def _():
                store_dma(g - 1, so, out1_hbm, sem_a).wait()
                store_dma(g - 1, so, out2_hbm, sem_b).wait()

            gather_dma(g + 2, so).start()

        store_dma(g, s, out2_hbm, sem_b).start()

    compute_idx(0)
    compute_idx(1)
    gather_dma(0, 0).start()
    gather_dma(1, 1).start()

    def outer(t, carry):
        chunk_step(3 * t, 0)
        chunk_step(3 * t + 1, 1)
        chunk_step(3 * t + 2, 2)
        return carry

    lax.fori_loop(0, LOOP_CHUNKS // 3, outer, 0)
    for g in range(LOOP_CHUNKS, G):
        chunk_step(g, g % 3)
    for g in range(G - 3, G):
        store_dma(g, g % 3, out1_hbm, sem_a).wait()
        store_dma(g, g % 3, out2_hbm, sem_b).wait()


def kernel(x, mask, mask_threshold):
    del mask_threshold
    x_flat = x.reshape(2 * N, D)
    mask_flat = mask.reshape(2 * N)
    o1, o2 = _select_rows(x_flat, mask_flat)
    return (o1.reshape(4, 8192, D), o2.reshape(4, 8192, D))

# --- scband reference (transcript-rebuilt; emitter-appended) ---
"""Pipeline reference for scband-token-argmax-21191368638740 (READ-ONLY COPY).

The authoritative reference and input builder live on the scoring server;
editing this copy changes nothing except your own understanding.
"""

import jax, jax.numpy as jnp
import numpy as np


def setup_inputs(seed: int = 0) -> dict:
    key = jax.random.key(seed)
    k1, k2 = jax.random.split(key)
    x = jax.random.normal(k1, (2, 4, 8192, 1024), dtype=jnp.float32)
    mask = jax.random.uniform(k2, (2, 4, 8192), dtype=jnp.float32)
    mask_threshold = 0
    return {"x": x, "mask": mask, "mask_threshold": mask_threshold}


def reference(x, mask, mask_threshold):
    # new_x = zeros_like(x[0]); new_x[mask0>=mask1] = x0[...]; new_x[mask1>mask0] = x1[...]
    new_x = jnp.zeros_like(x[0])
    cond0 = mask[0] >= mask[1]
    new_x = jnp.where(cond0[..., None], x[0], new_x)
    cond1 = mask[1] > mask[0]
    new_x = jnp.where(cond1[..., None], x[1], new_x)
    return (new_x, new_x)

if __name__ == "__main__":
    import jax
    _d = setup_inputs()
    print(jax.jit(kernel)(*tuple(_d.values())))

</pallas_src>

<mosaic_0001>
#map = affine_map<(d0, d1) -> (0, 0)>
#map1 = affine_map<(d0, d1) -> (0)>
module attributes {stable_mosaic.version = 14 : i64} {
  func.func @_select_rows(%arg0: i32, %arg1: i32, %arg2: memref<65536x1024xf32, #tpu.memory_space<hbm>>, %arg3: memref<65536xf32, #tpu.memory_space<hbm>>, %arg4: memref<32768x1024xf32, #tpu.memory_space<hbm>>, %arg5: memref<32768x1024xf32, #tpu.memory_space<hbm>>, %arg6: memref<1024xi32, #tpu.memory_space<vmem>>, %arg7: memref<1024xf32, #tpu.memory_space<vmem>>, %arg8: memref<1024xf32, #tpu.memory_space<vmem>>, %arg9: memref<3x32x1024xf32, #tpu.memory_space<vmem>>, %arg10: memref<!tpu.dma_semaphore, #tpu.memory_space<semaphore_mem>>, %arg11: memref<!tpu.dma_semaphore, #tpu.memory_space<semaphore_mem>>, %arg12: memref<!tpu.dma_semaphore, #tpu.memory_space<semaphore_mem>>, %arg13: memref<!tpu.dma_semaphore, #tpu.memory_space<semaphore_mem>>, %arg14: memref<!tpu.dma_semaphore, #tpu.memory_space<semaphore_mem>>, %arg15: memref<!tpu.dma_semaphore, #tpu.memory_space<semaphore_mem>>, %arg16: memref<!tpu.dma_semaphore, #tpu.memory_space<semaphore_mem>>, %arg17: memref<!tpu.dma_semaphore, #tpu.memory_space<semaphore_mem>>, %arg18: memref<!tpu.dma_semaphore, #tpu.memory_space<semaphore_mem>>) attributes {dimension_semantics = [#tpu.dimension_semantics<core_parallel>, #tpu.dimension_semantics<subcore_parallel>], iteration_bounds = array<i64: 2, 16>, scalar_prefetch = 0 : i64, scratch_operands = 13 : i64, tpu.core_type = #tpu.core_type<sc_vector_subcore>, window_params = [{transform_indices = #map}, {transform_indices = #map1}, {transform_indices = #map}, {transform_indices = #map}]} {
    %mul3A = arith.constant 2 : i32
    %mul3A_0 = arith.muli %arg1, %mul3A : i32
    %add3A = arith.addi %mul3A_0, %arg0 : i32
    %mul3A_1 = arith.constant 1024 : i32
    %mul3A_2 = arith.muli %add3A, %mul3A_1 : i32
    %add3A_3 = arith.constant 32768 : i32
    %add3A_4 = arith.addi %add3A_3, %mul3A_2 : i32
    %dma_start3A = tpu.memref_slice %arg3[%mul3A_2] : memref<65536xf32, #tpu.memory_space<hbm>> -> memref<1024xf32, #tpu.memory_space<hbm>>
    %dma_start3A_5 = tpu.memref_slice %arg3[%mul3A_2] : memref<65536xf32, #tpu.memory_space<hbm>> -> memref<1024xf32, #tpu.memory_space<hbm>>
    tpu.enqueue_dma source(%dma_start3A_5 : memref<1024xf32, #tpu.memory_space<hbm>>) target(%arg7 : memref<1024xf32, #tpu.memory_space<vmem>>) target_semaphore(%arg13 : memref<!tpu.dma_semaphore, #tpu.memory_space<semaphore_mem>>)
    %dma_start3A_6 = tpu.memref_slice %arg3[%add3A_4] : memref<65536xf32, #tpu.memory_space<hbm>> -> memref<1024xf32, #tpu.memory_space<hbm>>
    %dma_start3A_7 = tpu.memref_slice %arg3[%add3A_4] : memref<65536xf32, #tpu.memory_space<hbm>> -> memref<1024xf32, #tpu.memory_space<hbm>>
    tpu.enqueue_dma source(%dma_start3A_7 : memref<1024xf32, #tpu.memory_space<hbm>>) target(%arg8 : memref<1024xf32, #tpu.memory_space<vmem>>) target_semaphore(%arg16 : memref<!tpu.dma_semaphore, #tpu.memory_space<semaphore_mem>>)
    %dma_wait3A = tpu.memref_slice %arg3[%mul3A_2] : memref<65536xf32, #tpu.memory_space<hbm>> -> memref<1024xf32, #tpu.memory_space<hbm>>
    %dma_wait3A_8 = tpu.memref_slice %arg3[%mul3A_2] : memref<65536xf32, #tpu.memory_space<hbm>> -> memref<1024xf32, #tpu.memory_space<hbm>>
    tpu.wait_dma2 semaphore(%arg13 : memref<!tpu.dma_semaphore, #tpu.memory_space<semaphore_mem>>) src(%dma_wait3A_8 : memref<1024xf32, #tpu.memory_space<hbm>>) dst(%arg7 : memref<1024xf32, #tpu.memory_space<vmem>>)
    %dma_wait3A_9 = tpu.memref_slice %arg3[%add3A_4] : memref<65536xf32, #tpu.memory_space<hbm>> -> memref<1024xf32, #tpu.memory_space<hbm>>
    %dma_wait3A_10 = tpu.memref_slice %arg3[%add3A_4] : memref<65536xf32, #tpu.memory_space<hbm>> -> memref<1024xf32, #tpu.memory_space<hbm>>
    tpu.wait_dma2 semaphore(%arg16 : memref<!tpu.dma_semaphore, #tpu.memory_space<semaphore_mem>>) src(%dma_wait3A_10 : memref<1024xf32, #tpu.memory_space<hbm>>) dst(%arg8 : memref<1024xf32, #tpu.memory_space<vmem>>)
    %get3A = arith.constant 0 : index
    %get3A_11 = tpu.vector_load %arg7[%get3A] {strides = array<i32>} : memref<1024xf32, #tpu.memory_space<vmem>>, vector<16xf32>,
    %get3A_12 = vector.shape_cast %get3A_11 : vector<16xf32> to vector<16xf32>
    %get3A_13 = arith.constant 0 : index
    %get3A_14 = tpu.vector_load %arg8[%get3A_13] {strides = array<i32>} : memref<1024xf32, #tpu.memory_space<vmem>>, vector<16xf32>,
    %get3A_15 = vector.shape_cast %get3A_14 : vector<16xf32> to vector<16xf32>
    %ge3A = arith.cmpf oge, %get3A_12, %get3A_15 : vector<16xf32>
    %broadcast_in_dim3A = arith.constant 0 : i32
    %broadcast_in_dim3A_16 = vector.broadcast %broadcast_in_dim3A : i32 to vector<16xi32>
    %broadcast_in_dim3A_17 = arith.constant 32768 : i32
    %broadcast_in_dim3A_18 = vector.broadcast %broadcast_in_dim3A_17 : i32 to vector<16xi32>
    %select_n3A = arith.select %ge3A, %broadcast_in_dim3A_16, %broadcast_in_dim3A_18 : vector<16xi1>, vector<16xi32>
    %add3A_19 = arith.constant 0 : i32
    %add3A_20 = arith.addi %mul3A_2, %add3A_19 : i32
    %iota3A = tpu.iota {dimensions = array<i32: 0>} : vector<16xi32>
    %add3A_21 = vector.broadcast %add3A_20 : i32 to vector<16xi32>
    %add3A_22 = arith.addi %add3A_21, %iota3A : vector<16xi32>
    %add3A_23 = arith.addi %add3A_22, %select_n3A : vector<16xi32>
    %swap3A = arith.constant 0 : index
    %swap3A_24 = tpu.vector_load %arg6[%swap3A] {strides = array<i32>} : memref<1024xi32, #tpu.memory_space<vmem>>, vector<16xi32>,
    %swap3A_25 = vector.shape_cast %swap3A_24 : vector<16xi32> to vector<16xi32>
    %swap3A_26 = vector.shape_cast %add3A_23 : vector<16xi32> to vector<16xi32>
    tpu.vector_store %arg6[%swap3A], %swap3A_26 {strides = array<i32>} : memref<1024xi32, #tpu.memory_space<vmem>>, vector<16xi32>,
    %get3A_27 = arith.constant 16 : index
    %get3A_28 = tpu.vector_load %arg7[%get3A_27] {strides = array<i32>} : memref<1024xf32, #tpu.memory_space<vmem>>, vector<16xf32>,
    %get3A_29 = vector.shape_cast %get3A_28 : vector<16xf32> to vector<16xf32>
    %get3A_30 = arith.constant 16 : index
    %get3A_31 = tpu.vector_load %arg8[%get3A_30] {strides = array<i32>} : memref<1024xf32, #tpu.memory_space<vmem>>, vector<16xf32>,
    %get3A_32 = vector.shape_cast %get3A_31 : vector<16xf32> to vector<16xf32>
    %ge3A_33 = arith.cmpf oge, %get3A_29, %get3A_32 : vector<16xf32>
    %broadcast_in_dim3A_34 = arith.constant 0 : i32
    %broadcast_in_dim3A_35 = vector.broadcast %broadcast_in_dim3A_34 : i32 to vector<16xi32>
    %broadcast_in_dim3A_36 = arith.constant 32768 : i32
    %broadcast_in_dim3A_37 = vector.broadcast %broadcast_in_dim3A_36 : i32 to vector<16xi32>
    %select_n3A_38 = arith.select %ge3A_33, %broadcast_in_dim3A_35, %broadcast_in_dim3A_37 : vector<16xi1>, vector<16xi32>
    %add3A_39 = arith.constant 16 : i32
    %add3A_40 = arith.addi %mul3A_2, %add3A_39 : i32
    %iota3A_41 = tpu.iota {dimensions = array<i32: 0>} : vector<16xi32>
    %add3A_42 = vector.broadcast %add3A_40 : i32 to vector<16xi32>
    %add3A_43 = arith.addi %add3A_42, %iota3A_41 : vector<16xi32>
    %add3A_44 = arith.addi %add3A_43, %select_n3A_38 : vector<16xi32>
    %swap3A_45 = arith.constant 16 : index
    %swap3A_46 = tpu.vector_load %arg6[%swap3A_45] {strides = array<i32>} : memref<1024xi32, #tpu.memory_space<vmem>>, vector<16xi32>,
    %swap3A_47 = vector.shape_cast %swap3A_46 : vector<16xi32> to vector<16xi32>
    %swap3A_48 = vector.shape_cast %add3A_44 : vector<16xi32> to vector<16xi32>
    tpu.vector_store %arg6[%swap3A_45], %swap3A_48 {strides = array<i32>} : memref<1024xi32, #tpu.memory_space<vmem>>, vector<16xi32>,
    %get3A_49 = arith.constant 32 : index
    %get3A_50 = tpu.vector_load %arg7[%get3A_49] {strides = array<i32>} : memref<1024xf32, #tpu.memory_space<vmem>>, vector<16xf32>,
    %get3A_51 = vector.shape_cast %get3A_50 : vector<16xf32> to vector<16xf32>
    %get3A_52 = arith.constant 32 : index
    %get3A_53 = tpu.vector_load %arg8[%get3A_52] {strides = array<i32>} : memref<1024xf32, #tpu.memory_space<vmem>>, vector<16xf32>,
    %get3A_54 = vector.shape_cast %get3A_53 : vector<16xf32> to vector<16xf32>
    %ge3A_55 = arith.cmpf oge, %get3A_51, %get3A_54 : vector<16xf32>
    %broadcast_in_dim3A_56 = arith.constant 0 : i32
    %broadcast_in_dim3A_57 = vector.broadcast %broadcast_in_dim3A_56 : i32 to vector<16xi32>
    %broadcast_in_dim3A_58 = arith.constant 32768 : i32
    %broadcast_in_dim3A_59 = vector.broadcast %broadcast_in_dim3A_58 : i32 to vector<16xi32>
    %select_n3A_60 = arith.select %ge3A_55, %broadcast_in_dim3A_57, %broadcast_in_dim3A_59 : vector<16xi1>, vector<16xi32>
    %add3A_61 = arith.constant 32 : i32
    %add3A_62 = arith.addi %mul3A_2, %add3A_61 : i32
    %iota3A_63 = tpu.iota {dimensions = array<i32: 0>} : vector<16xi32>
    %add3A_64 = vector.broadcast %add3A_62 : i32 to vector<16xi32>
    %add3A_65 = arith.addi %add3A_64, %iota3A_63 : vector<16xi32>
    %add3A_66 = arith.addi %add3A_65, %select_n3A_60 : vector<16xi32>
    %swap3A_67 = arith.constant 32 : index
    %swap3A_68 = tpu.vector_load %arg6[%swap3A_67] {strides = array<i32>} : memref<1024xi32, #tpu.memory_space<vmem>>, vector<16xi32>,
    %swap3A_69 = vector.shape_cast %swap3A_68 : vector<16xi32> to vector<16xi32>
    %swap3A_70 = vector.shape_cast %add3A_66 : vector<16xi32> to vector<16xi32>
    tpu.vector_store %arg6[%swap3A_67], %swap3A_70 {strides = array<i32>} : memref<1024xi32, #tpu.memory_space<vmem>>, vector<16xi32>,
    %get3A_71 = arith.constant 48 : index
    %get3A_72 = tpu.vector_load %arg7[%get3A_71] {strides = array<i32>} : memref<1024xf32, #tpu.memory_space<vmem>>, vector<16xf32>,
    %get3A_73 = vector.shape_cast %get3A_72 : vector<16xf32> to vector<16xf32>
    %get3A_74 = arith.constant 48 : index
    %get3A_75 = tpu.vector_load %arg8[%get3A_74] {strides = array<i32>} : memref<1024xf32, #tpu.memory_space<vmem>>, vector<16xf32>,
    %get3A_76 = vector.shape_cast %get3A_75 : vector<16xf32> to vector<16xf32>
    %ge3A_77 = arith.cmpf oge, %get3A_73, %get3A_76 : vector<16xf32>
    %broadcast_in_dim3A_78 = arith.constant 0 : i32
    %broadcast_in_dim3A_79 = vector.broadcast %broadcast_in_dim3A_78 : i32 to vector<16xi32>
    %broadcast_in_dim3A_80 = arith.constant 32768 : i32
    %broadcast_in_dim3A_81 = vector.broadcast %broadcast_in_dim3A_80 : i32 to vector<16xi32>
    %select_n3A_82 = arith.select %ge3A_77, %broadcast_in_dim3A_79, %broadcast_in_dim3A_81 : vector<16xi1>, vector<16xi32>
    %add3A_83 = arith.constant 48 : i32
    %add3A_84 = arith.addi %mul3A_2, %add3A_83 : i32
    %iota3A_85 = tpu.iota {dimensions = array<i32: 0>} : vector<16xi32>
    %add3A_86 = vector.broadcast %add3A_84 : i32 to vector<16xi32>
    %add3A_87 = arith.addi %add3A_86, %iota3A_85 : vector<16xi32>
    %add3A_88 = arith.addi %add3A_87, %select_n3A_82 : vector<16xi32>
    %swap3A_89 = arith.constant 48 : index
    %swap3A_90 = tpu.vector_load %arg6[%swap3A_89] {strides = array<i32>} : memref<1024xi32, #tpu.memory_space<vmem>>, vector<16xi32>,
    %swap3A_91 = vector.shape_cast %swap3A_90 : vector<16xi32> to vector<16xi32>
    %swap3A_92 = vector.shape_cast %add3A_88 : vector<16xi32> to vector<16xi32>
    tpu.vector_store %arg6[%swap3A_89], %swap3A_92 {strides = array<i32>} : memref<1024xi32, #tpu.memory_space<vmem>>, vector<16xi32>,
    %dma_start3A_93 = arith.constant 0 : i32
    %dma_start3A_94 = arith.constant 0 : i32
    %dma_start3A_95 = arith.constant 0 : i32
    %dma_start3A_96 = tpu.memref_slice %arg9[%dma_start3A_93, %dma_start3A_94, %dma_start3A_95] : memref<3x32x1024xf32, #tpu.memory_space<vmem>> -> memref<1x32x1024xf32, #tpu.memory_space<vmem>>
    %dma_start3A_97 = tpu.memref_squeeze %dma_start3A_96 : memref<1x32x1024xf32, #tpu.memory_space<vmem>> -> memref<32x1024xf32, #tpu.memory_space<vmem>>
    %dma_start3A_98 = arith.constant 0 : i32
    %dma_start3A_99 = tpu.memref_slice %arg6[%dma_start3A_98] : memref<1024xi32, #tpu.memory_space<vmem>> -> memref<32xi32, #tpu.memory_space<vmem>>
    %dma_start3A_100 = arith.constant 0 : i32
    %dma_start3A_101 = arith.constant 0 : i32
    %dma_start3A_102 = tpu.memref_slice %arg2[%dma_start3A_100, %dma_start3A_101] : memref<65536x1024xf32, #tpu.memory_space<hbm>> -> memref<65536x1024xf32, #tpu.memory_space<hbm>>
    tpu.enqueue_indirect_dma source(%dma_start3A_102 : memref<65536x1024xf32, #tpu.memory_space<hbm>>) target(%dma_start3A_97 : memref<32x1024xf32, #tpu.memory_space<vmem>>) offsets(%dma_start3A_99 : memref<32xi32, #tpu.memory_space<vmem>>) semaphore(%arg10 : memref<!tpu.dma_semaphore, #tpu.memory_space<semaphore_mem>>)
    %dma_start3A_103 = arith.constant 1 : i32
    %dma_start3A_104 = arith.constant 0 : i32
    %dma_start3A_105 = arith.constant 0 : i32
    %dma_start3A_106 = tpu.memref_slice %arg9[%dma_start3A_103, %dma_start3A_104, %dma_start3A_105] : memref<3x32x1024xf32, #tpu.memory_space<vmem>> -> memref<1x32x1024xf32, #tpu.memory_space<vmem>>
    %dma_start3A_107 = tpu.memref_squeeze %dma_start3A_106 : memref<1x32x1024xf32, #tpu.memory_space<vmem>> -> memref<32x1024xf32, #tpu.memory_space<vmem>>
    %dma_start3A_108 = arith.constant 32 : i32
    %dma_start3A_109 = tpu.memref_slice %arg6[%dma_start3A_108] : memref<1024xi32, #tpu.memory_space<vmem>> -> memref<32xi32, #tpu.memory_space<vmem>>
    %dma_start3A_110 = arith.constant 0 : i32
    %dma_start3A_111 = arith.constant 0 : i32
    %dma_start3A_112 = tpu.memref_slice %arg2[%dma_start3A_110, %dma_start3A_111] : memref<65536x1024xf32, #tpu.memory_space<hbm>> -> memref<65536x1024xf32, #tpu.memory_space<hbm>>
    tpu.enqueue_indirect_dma source(%dma_start3A_112 : memref<65536x1024xf32, #tpu.memory_space<hbm>>) target(%dma_start3A_107 : memref<32x1024xf32, #tpu.memory_space<vmem>>) offsets(%dma_start3A_109 : memref<32xi32, #tpu.memory_space<vmem>>) semaphore(%arg11 : memref<!tpu.dma_semaphore, #tpu.memory_space<semaphore_mem>>)
    %scan3A = arith.constant 0 : i32
    %scan3A_113 = arith.constant 0 : i32
    %scan3A_114 = arith.constant 10 : i32
    %scan3A_115 = arith.addi %scan3A_113, %scan3A_114 : i32
    %scan3A_116 = arith.constant 1 : i32
    scf.for %scan3A_288 = %scan3A_113 to %scan3A_115 step %scan3A_116  : i32 {
      %mul3A_289 = arith.constant 3 : i32
      %mul3A_290 = arith.muli %mul3A_289, %scan3A_288 : i32
      %mul3A_291 = arith.constant 32 : i32
      %mul3A_292 = arith.muli %mul3A_290, %mul3A_291 : i32
      %dma_wait3A_293 = arith.constant 0 : i32
      %dma_wait3A_294 = arith.constant 0 : i32
      %dma_wait3A_295 = arith.constant 0 : i32
      %dma_wait3A_296 = tpu.memref_slice %arg9[%dma_wait3A_293, %dma_wait3A_294, %dma_wait3A_295] : memref<3x32x1024xf32, #tpu.memory_space<vmem>> -> memref<1x32x1024xf32, #tpu.memory_space<vmem>>
      %dma_wait3A_297 = tpu.memref_squeeze %dma_wait3A_296 : memref<1x32x1024xf32, #tpu.memory_space<vmem>> -> memref<32x1024xf32, #tpu.memory_space<vmem>>
      %dma_wait3A_298 = tpu.memref_slice %arg6[%mul3A_292] : memref<1024xi32, #tpu.memory_space<vmem>> -> memref<32xi32, #tpu.memory_space<vmem>>
      %dma_wait3A_299 = arith.constant 0 : i32
      %dma_wait3A_300 = arith.constant 0 : i32
      %dma_wait3A_301 = tpu.memref_slice %arg2[%dma_wait3A_299, %dma_wait3A_300] : memref<65536x1024xf32, #tpu.memory_space<hbm>> -> memref<65536x1024xf32, #tpu.memory_space<hbm>>
      tpu.wait_indirect_dma semaphore(%arg10 : memref<!tpu.dma_semaphore, #tpu.memory_space<semaphore_mem>>) src(%dma_wait3A_301 : memref<65536x1024xf32, #tpu.memory_space<hbm>>) dst(%dma_wait3A_297 : memref<32x1024xf32, #tpu.memory_space<vmem>>)
      %mul3A_302 = arith.constant 32 : i32
      %mul3A_303 = arith.muli %mul3A_290, %mul3A_302 : i32
      %add3A_304 = arith.addi %mul3A_2, %mul3A_303 : i32
      %dma_start3A_305 = arith.constant 0 : i32
      %dma_start3A_306 = arith.constant 0 : i32
      %dma_start3A_307 = arith.constant 0 : i32
      %dma_start3A_308 = tpu.memref_slice %arg9[%dma_start3A_305, %dma_start3A_306, %dma_start3A_307] : memref<3x32x1024xf32, #tpu.memory_space<vmem>> -> memref<1x32x1024xf32, #tpu.memory_space<vmem>>
      %dma_start3A_309 = tpu.memref_squeeze %dma_start3A_308 : memref<1x32x1024xf32, #tpu.memory_space<vmem>> -> memref<32x1024xf32, #tpu.memory_space<vmem>>
      %dma_start3A_310 = arith.constant 0 : i32
      %dma_start3A_311 = tpu.memref_slice %arg4[%add3A_304, %dma_start3A_310] : memref<32768x1024xf32, #tpu.memory_space<hbm>> -> memref<32x1024xf32, #tpu.memory_space<hbm>>
      %dma_start3A_312 = arith.constant 0 : i32
      %dma_start3A_313 = tpu.memref_slice %arg4[%add3A_304, %dma_start3A_312] : memref<32768x1024xf32, #tpu.memory_space<hbm>> -> memref<32x1024xf32, #tpu.memory_space<hbm>>
      %dma_start3A_314 = arith.constant 0 : i32
      %dma_start3A_315 = arith.constant 0 : i32
      %dma_start3A_316 = tpu.memref_slice %arg9[%dma_start3A_305, %dma_start3A_314, %dma_start3A_315] : memref<3x32x1024xf32, #tpu.memory_space<vmem>> -> memref<1x32x1024xf32, #tpu.memory_space<vmem>>
      %dma_start3A_317 = tpu.memref_squeeze %dma_start3A_316 : memref<1x32x1024xf32, #tpu.memory_space<vmem>> -> memref<32x1024xf32, #tpu.memory_space<vmem>>
      tpu.enqueue_dma source(%dma_start3A_317 : memref<32x1024xf32, #tpu.memory_space<vmem>>) target(%dma_start3A_313 : memref<32x1024xf32, #tpu.memory_space<hbm>>) target_semaphore(%arg13 : memref<!tpu.dma_semaphore, #tpu.memory_space<semaphore_mem>>)
      %add3A_318 = arith.constant 2 : i32
      %add3A_319 = arith.addi %mul3A_290, %add3A_318 : i32
      %lt3A = arith.constant 32 : i32
      %lt3A_320 = arith.cmpi slt, %add3A_319, %lt3A : i32
      %convert_element_type3A = arith.extui %lt3A_320 : i1 to i32
      %cond3A = arith.constant 0 : i32
      %cond3A_321 = arith.cmpi ne, %convert_element_type3A, %cond3A : i32
      scf.if %cond3A_321 {
        %add3A_446 = arith.constant 2 : i32
        %add3A_447 = arith.addi %mul3A_290, %add3A_446 : i32
        %mul3A_448 = arith.constant 32 : i32
        %mul3A_449 = arith.muli %add3A_447, %mul3A_448 : i32
        %add3A_450 = arith.constant 0 : i32
        %add3A_451 = arith.addi %mul3A_449, %add3A_450 : i32
        %get3A_452 = arith.index_cast %add3A_451 : i32 to index
        %get3A_453 = tpu.vector_load %arg7[%get3A_452] {strides = array<i32>} : memref<1024xf32, #tpu.memory_space<vmem>>, vector<16xf32>,
        %get3A_454 = vector.shape_cast %get3A_453 : vector<16xf32> to vector<16xf32>
        %get3A_455 = arith.index_cast %add3A_451 : i32 to index
        %get3A_456 = tpu.vector_load %arg8[%get3A_455] {strides = array<i32>} : memref<1024xf32, #tpu.memory_space<vmem>>, vector<16xf32>,
        %get3A_457 = vector.shape_cast %get3A_456 : vector<16xf32> to vector<16xf32>
        %ge3A_458 = arith.cmpf oge, %get3A_454, %get3A_457 : vector<16xf32>
        %broadcast_in_dim3A_459 = arith.constant 0 : i32
        %broadcast_in_dim3A_460 = vector.broadcast %broadcast_in_dim3A_459 : i32 to vector<16xi32>
        %broadcast_in_dim3A_461 = arith.constant 32768 : i32
        %broadcast_in_dim3A_462 = vector.broadcast %broadcast_in_dim3A_461 : i32 to vector<16xi32>
        %select_n3A_463 = arith.select %ge3A_458, %broadcast_in_dim3A_460, %broadcast_in_dim3A_462 : vector<16xi1>, vector<16xi32>
        %add3A_464 = arith.addi %mul3A_2, %add3A_451 : i32
        %iota3A_465 = tpu.iota {dimensions = array<i32: 0>} : vector<16xi32>
        %add3A_466 = vector.broadcast %add3A_464 : i32 to vector<16xi32>
        %add3A_467 = arith.addi %add3A_466, %iota3A_465 : vector<16xi32>
        %add3A_468 = arith.addi %add3A_467, %select_n3A_463 : vector<16xi32>
        %swap3A_469 = arith.index_cast %add3A_451 : i32 to index
        %swap3A_470 = tpu.vector_load %arg6[%swap3A_469] {strides = array<i32>} : memref<1024xi32, #tpu.memory_space<vmem>>, vector<16xi32>,
        %swap3A_471 = vector.shape_cast %swap3A_470 : vector<16xi32> to vector<16xi32>
        %swap3A_472 = vector.shape_cast %add3A_468 : vector<16xi32> to vector<16xi32>
        tpu.vector_store %arg6[%swap3A_469], %swap3A_472 {strides = array<i32>} : memref<1024xi32, #tpu.memory_space<vmem>>, vector<16xi32>,
        %mul3A_473 = arith.constant 32 : i32
        %mul3A_474 = arith.muli %add3A_447, %mul3A_473 : i32
        %add3A_475 = arith.constant 16 : i32
        %add3A_476 = arith.addi %mul3A_474, %add3A_475 : i32
        %get3A_477 = arith.index_cast %add3A_476 : i32 to index
        %get3A_478 = tpu.vector_load %arg7[%get3A_477] {strides = array<i32>} : memref<1024xf32, #tpu.memory_space<vmem>>, vector<16xf32>,
        %get3A_479 = vector.shape_cast %get3A_478 : vector<16xf32> to vector<16xf32>
        %get3A_480 = arith.index_cast %add3A_476 : i32 to index
        %get3A_481 = tpu.vector_load %arg8[%get3A_480] {strides = array<i32>} : memref<1024xf32, #tpu.memory_space<vmem>>, vector<16xf32>,
        %get3A_482 = vector.shape_cast %get3A_481 : vector<16xf32> to vector<16xf32>
        %ge3A_483 = arith.cmpf oge, %get3A_479, %get3A_482 : vector<16xf32>
        %broadcast_in_dim3A_484 = arith.constant 0 : i32
        %broadcast_in_dim3A_485 = vector.broadcast %broadcast_in_dim3A_484 : i32 to vector<16xi32>
        %broadcast_in_dim3A_486 = arith.constant 32768 : i32
        %broadcast_in_dim3A_487 = vector.broadcast %broadcast_in_dim3A_486 : i32 to vector<16xi32>
        %select_n3A_488 = arith.select %ge3A_483, %broadcast_in_dim3A_485, %broadcast_in_dim3A_487 : vector<16xi1>, vector<16xi32>
        %add3A_489 = arith.addi %mul3A_2, %add3A_476 : i32
        %iota3A_490 = tpu.iota {dimensions = array<i32: 0>} : vector<16xi32>
        %add3A_491 = vector.broadcast %add3A_489 : i32 to vector<16xi32>
        %add3A_492 = arith.addi %add3A_491, %iota3A_490 : vector<16xi32>
        %add3A_493 = arith.addi %add3A_492, %select_n3A_488 : vector<16xi32>
        %swap3A_494 = arith.index_cast %add3A_476 : i32 to index
        %swap3A_495 = tpu.vector_load %arg6[%swap3A_494] {strides = array<i32>} : memref<1024xi32, #tpu.memory_space<vmem>>, vector<16xi32>,
        %swap3A_496 = vector.shape_cast %swap3A_495 : vector<16xi32> to vector<16xi32>
        %swap3A_497 = vector.shape_cast %add3A_493 : vector<16xi32> to vector<16xi32>
        tpu.vector_store %arg6[%swap3A_494], %swap3A_497 {strides = array<i32>} : memref<1024xi32, #tpu.memory_space<vmem>>, vector<16xi32>,
        %ge3A_498 = arith.constant 1 : i32
        %ge3A_499 = arith.cmpi sge, %mul3A_290, %ge3A_498 : i32
        %convert_element_type3A_500 = arith.extui %ge3A_499 : i1 to i32
        %cond3A_501 = arith.constant 0 : i32
        %cond3A_502 = arith.cmpi ne, %convert_element_type3A_500, %cond3A_501 : i32
        scf.if %cond3A_502 {
          %sub3A = arith.constant 1 : i32
          %sub3A_516 = arith.subi %mul3A_290, %sub3A : i32
          %mul3A_517 = arith.constant 32 : i32
          %mul3A_518 = arith.muli %sub3A_516, %mul3A_517 : i32
          %add3A_519 = arith.addi %mul3A_2, %mul3A_518 : i32
          %dma_wait3A_520 = arith.constant 2 : i32
          %dma_wait3A_521 = arith.constant 0 : i32
          %dma_wait3A_522 = arith.constant 0 : i32
          %dma_wait3A_523 = tpu.memref_slice %arg9[%dma_wait3A_520, %dma_wait3A_521, %dma_wait3A_522] : memref<3x32x1024xf32, #tpu.memory_space<vmem>> -> memref<1x32x1024xf32, #tpu.memory_space<vmem>>
          %dma_wait3A_524 = tpu.memref_squeeze %dma_wait3A_523 : memref<1x32x1024xf32, #tpu.memory_space<vmem>> -> memref<32x1024xf32, #tpu.memory_space<vmem>>
          %dma_wait3A_525 = arith.constant 0 : i32
          %dma_wait3A_526 = tpu.memref_slice %arg4[%add3A_519, %dma_wait3A_525] : memref<32768x1024xf32, #tpu.memory_space<hbm>> -> memref<32x1024xf32, #tpu.memory_space<hbm>>
          %dma_wait3A_527 = arith.constant 0 : i32
          %dma_wait3A_528 = tpu.memref_slice %arg4[%add3A_519, %dma_wait3A_527] : memref<32768x1024xf32, #tpu.memory_space<hbm>> -> memref<32x1024xf32, #tpu.memory_space<hbm>>
          %dma_wait3A_529 = arith.constant 0 : i32
          %dma_wait3A_530 = arith.constant 0 : i32
          %dma_wait3A_531 = tpu.memref_slice %arg9[%dma_wait3A_520, %dma_wait3A_529, %dma_wait3A_530] : memref<3x32x1024xf32, #tpu.memory_space<vmem>> -> memref<1x32x1024xf32, #tpu.memory_space<vmem>>
          %dma_wait3A_532 = tpu.memref_squeeze %dma_wait3A_531 : memref<1x32x1024xf32, #tpu.memory_space<vmem>> -> memref<32x1024xf32, #tpu.memory_space<vmem>>
          tpu.wait_dma2 semaphore(%arg15 : memref<!tpu.dma_semaphore, #tpu.memory_space<semaphore_mem>>) src(%dma_wait3A_532 : memref<32x1024xf32, #tpu.memory_space<vmem>>) dst(%dma_wait3A_528 : memref<32x1024xf32, #tpu.memory_space<hbm>>)
          %sub3A_533 = arith.constant 1 : i32
          %sub3A_534 = arith.subi %mul3A_290, %sub3A_533 : i32
          %mul3A_535 = arith.constant 32 : i32
          %mul3A_536 = arith.muli %sub3A_534, %mul3A_535 : i32
          %add3A_537 = arith.addi %mul3A_2, %mul3A_536 : i32
          %dma_wait3A_538 = arith.constant 2 : i32
          %dma_wait3A_539 = arith.constant 0 : i32
          %dma_wait3A_540 = arith.constant 0 : i32
          %dma_wait3A_541 = tpu.memref_slice %arg9[%dma_wait3A_538, %dma_wait3A_539, %dma_wait3A_540] : memref<3x32x1024xf32, #tpu.memory_space<vmem>> -> memref<1x32x1024xf32, #tpu.memory_space<vmem>>
          %dma_wait3A_542 = tpu.memref_squeeze %dma_wait3A_541 : memref<1x32x1024xf32, #tpu.memory_space<vmem>> -> memref<32x1024xf32, #tpu.memory_space<vmem>>
          %dma_wait3A_543 = arith.constant 0 : i32
          %dma_wait3A_544 = tpu.memref_slice %arg5[%add3A_537, %dma_wait3A_543] : memref<32768x1024xf32, #tpu.memory_space<hbm>> -> memref<32x1024xf32, #tpu.memory_space<hbm>>
          %dma_wait3A_545 = arith.constant 0 : i32
          %dma_wait3A_546 = tpu.memref_slice %arg5[%add3A_537, %dma_wait3A_545] : memref<32768x1024xf32, #tpu.memory_space<hbm>> -> memref<32x1024xf32, #tpu.memory_space<hbm>>
          %dma_wait3A_547 = arith.constant 0 : i32
          %dma_wait3A_548 = arith.constant 0 : i32
          %dma_wait3A_549 = tpu.memref_slice %arg9[%dma_wait3A_538, %dma_wait3A_547, %dma_wait3A_548] : memref<3x32x1024xf32, #tpu.memory_space<vmem>> -> memref<1x32x1024xf32, #tpu.memory_space<vmem>>
          %dma_wait3A_550 = tpu.memref_squeeze %dma_wait3A_549 : memref<1x32x1024xf32, #tpu.memory_space<vmem>> -> memref<32x1024xf32, #tpu.memory_space<vmem>>
          tpu.wait_dma2 semaphore(%arg18 : memref<!tpu.dma_semaphore, #tpu.memory_space<semaphore_mem>>) src(%dma_wait3A_550 : memref<32x1024xf32, #tpu.memory_space<vmem>>) dst(%dma_wait3A_546 : memref<32x1024xf32, #tpu.memory_space<hbm>>)
        } else {
        }
        %add3A_503 = arith.constant 2 : i32
        %add3A_504 = arith.addi %mul3A_290, %add3A_503 : i32
        %mul3A_505 = arith.constant 32 : i32
        %mul3A_506 = arith.muli %add3A_504, %mul3A_505 : i32
        %dma_start3A_507 = arith.constant 2 : i32
        %dma_start3A_508 = arith.constant 0 : i32
        %dma_start3A_509 = arith.constant 0 : i32
        %dma_start3A_510 = tpu.memref_slice %arg9[%dma_start3A_507, %dma_start3A_508, %dma_start3A_509] : memref<3x32x1024xf32, #tpu.memory_space<vmem>> -> memref<1x32x1024xf32, #tpu.memory_space<vmem>>
        %dma_start3A_511 = tpu.memref_squeeze %dma_start3A_510 : memref<1x32x1024xf32, #tpu.memory_space<vmem>> -> memref<32x1024xf32, #tpu.memory_space<vmem>>
        %dma_start3A_512 = tpu.memref_slice %arg6[%mul3A_506] : memref<1024xi32, #tpu.memory_space<vmem>> -> memref<32xi32, #tpu.memory_space<vmem>>
        %dma_start3A_513 = arith.constant 0 : i32
        %dma_start3A_514 = arith.constant 0 : i32
        %dma_start3A_515 = tpu.memref_slice %arg2[%dma_start3A_513, %dma_start3A_514] : memref<65536x1024xf32, #tpu.memory_space<hbm>> -> memref<65536x1024xf32, #tpu.memory_space<hbm>>
        tpu.enqueue_indirect_dma source(%dma_start3A_515 : memref<65536x1024xf32, #tpu.memory_space<hbm>>) target(%dma_start3A_511 : memref<32x1024xf32, #tpu.memory_space<vmem>>) offsets(%dma_start3A_512 : memref<32xi32, #tpu.memory_space<vmem>>) semaphore(%arg12 : memref<!tpu.dma_semaphore, #tpu.memory_space<semaphore_mem>>)
      } else {
      }
      %mul3A_322 = arith.constant 32 : i32
      %mul3A_323 = arith.muli %mul3A_290, %mul3A_322 : i32
      %add3A_324 = arith.addi %mul3A_2, %mul3A_323 : i32
      %dma_start3A_325 = arith.constant 0 : i32
      %dma_start3A_326 = arith.constant 0 : i32
      %dma_start3A_327 = arith.constant 0 : i32
      %dma_start3A_328 = tpu.memref_slice %arg9[%dma_start3A_325, %dma_start3A_326, %dma_start3A_327] : memref<3x32x1024xf32, #tpu.memory_space<vmem>> -> memref<1x32x1024xf32, #tpu.memory_space<vmem>>
      %dma_start3A_329 = tpu.memref_squeeze %dma_start3A_328 : memref<1x32x1024xf32, #tpu.memory_space<vmem>> -> memref<32x1024xf32, #tpu.memory_space<vmem>>
      %dma_start3A_330 = arith.constant 0 : i32
      %dma_start3A_331 = tpu.memref_slice %arg5[%add3A_324, %dma_start3A_330] : memref<32768x1024xf32, #tpu.memory_space<hbm>> -> memref<32x1024xf32, #tpu.memory_space<hbm>>
      %dma_start3A_332 = arith.constant 0 : i32
      %dma_start3A_333 = tpu.memref_slice %arg5[%add3A_324, %dma_start3A_332] : memref<32768x1024xf32, #tpu.memory_space<hbm>> -> memref<32x1024xf32, #tpu.memory_space<hbm>>
      %dma_start3A_334 = arith.constant 0 : i32
      %dma_start3A_335 = arith.constant 0 : i32
      %dma_start3A_336 = tpu.memref_slice %arg9[%dma_start3A_325, %dma_start3A_334, %dma_start3A_335] : memref<3x32x1024xf32, #tpu.memory_space<vmem>> -> memref<1x32x1024xf32, #tpu.memory_space<vmem>>
      %dma_start3A_337 = tpu.memref_squeeze %dma_start3A_336 : memref<1x32x1024xf32, #tpu.memory_space<vmem>> -> memref<32x1024xf32, #tpu.memory_space<vmem>>
      tpu.enqueue_dma source(%dma_start3A_337 : memref<32x1024xf32, #tpu.memory_space<vmem>>) target(%dma_start3A_333 : memref<32x1024xf32, #tpu.memory_space<hbm>>) target_semaphore(%arg16 : memref<!tpu.dma_semaphore, #tpu.memory_space<semaphore_mem>>)
      %mul3A_338 = arith.constant 3 : i32
      %mul3A_339 = arith.muli %mul3A_338, %scan3A_288 : i32
      %add3A_340 = arith.constant 1 : i32
      %add3A_341 = arith.addi %mul3A_339, %add3A_340 : i32
      %mul3A_342 = arith.constant 32 : i32
      %mul3A_343 = arith.muli %add3A_341, %mul3A_342 : i32
      %dma_wait3A_344 = arith.constant 1 : i32
      %dma_wait3A_345 = arith.constant 0 : i32
      %dma_wait3A_346 = arith.constant 0 : i32
      %dma_wait3A_347 = tpu.memref_slice %arg9[%dma_wait3A_344, %dma_wait3A_345, %dma_wait3A_346] : memref<3x32x1024xf32, #tpu.memory_space<vmem>> -> memref<1x32x1024xf32, #tpu.memory_space<vmem>>
      %dma_wait3A_348 = tpu.memref_squeeze %dma_wait3A_347 : memref<1x32x1024xf32, #tpu.memory_space<vmem>> -> memref<32x1024xf32, #tpu.memory_space<vmem>>
      %dma_wait3A_349 = tpu.memref_slice %arg6[%mul3A_343] : memref<1024xi32, #tpu.memory_space<vmem>> -> memref<32xi32, #tpu.memory_space<vmem>>
      %dma_wait3A_350 = arith.constant 0 : i32
      %dma_wait3A_351 = arith.constant 0 : i32
      %dma_wait3A_352 = tpu.memref_slice %arg2[%dma_wait3A_350, %dma_wait3A_351] : memref<65536x1024xf32, #tpu.memory_space<hbm>> -> memref<65536x1024xf32, #tpu.memory_space<hbm>>
      tpu.wait_indirect_dma semaphore(%arg11 : memref<!tpu.dma_semaphore, #tpu.memory_space<semaphore_mem>>) src(%dma_wait3A_352 : memref<65536x1024xf32, #tpu.memory_space<hbm>>) dst(%dma_wait3A_348 : memref<32x1024xf32, #tpu.memory_space<vmem>>)
      %mul3A_353 = arith.constant 32 : i32
      %mul3A_354 = arith.muli %add3A_341, %mul3A_353 : i32
      %add3A_355 = arith.addi %mul3A_2, %mul3A_354 : i32
      %dma_start3A_356 = arith.constant 1 : i32
      %dma_start3A_357 = arith.constant 0 : i32
      %dma_start3A_358 = arith.constant 0 : i32
      %dma_start3A_359 = tpu.memref_slice %arg9[%dma_start3A_356, %dma_start3A_357, %dma_start3A_358] : memref<3x32x1024xf32, #tpu.memory_space<vmem>> -> memref<1x32x1024xf32, #tpu.memory_space<vmem>>
      %dma_start3A_360 = tpu.memref_squeeze %dma_start3A_359 : memref<1x32x1024xf32, #tpu.memory_space<vmem>> -> memref<32x1024xf32, #tpu.memory_space<vmem>>
      %dma_start3A_361 = arith.constant 0 : i32
      %dma_start3A_362 = tpu.memref_slice %arg4[%add3A_355, %dma_start3A_361] : memref<32768x1024xf32, #tpu.memory_space<hbm>> -> memref<32x1024xf32, #tpu.memory_space<hbm>>
      %dma_start3A_363 = arith.constant 0 : i32
      %dma_start3A_364 = tpu.memref_slice %arg4[%add3A_355, %dma_start3A_363] : memref<32768x1024xf32, #tpu.memory_space<hbm>> -> memref<32x1024xf32, #tpu.memory_space<hbm>>
      %dma_start3A_365 = arith.constant 0 : i32
      %dma_start3A_366 = arith.constant 0 : i32
      %dma_start3A_367 = tpu.memref_slice %arg9[%dma_start3A_356, %dma_start3A_365, %dma_start3A_366] : memref<3x32x1024xf32, #tpu.memory_space<vmem>> -> memref<1x32x1024xf32, #tpu.memory_space<vmem>>
      %dma_start3A_368 = tpu.memref_squeeze %dma_start3A_367 : memref<1x32x1024xf32, #tpu.memory_space<vmem>> -> memref<32x1024xf32, #tpu.memory_space<vmem>>
      tpu.enqueue_dma source(%dma_start3A_368 : memref<32x1024xf32, #tpu.memory_space<vmem>>) target(%dma_start3A_364 : memref<32x1024xf32, #tpu.memory_space<hbm>>) target_semaphore(%arg14 : memref<!tpu.dma_semaphore, #tpu.memory_space<semaphore_mem>>)
      %add3A_369 = arith.constant 2 : i32
      %add3A_370 = arith.addi %add3A_341, %add3A_369 : i32
      %lt3A_371 = arith.constant 32 : i32
      %lt3A_372 = arith.cmpi slt, %add3A_370, %lt3A_371 : i32
      %convert_element_type3A_373 = arith.extui %lt3A_372 : i1 to i32
      %cond3A_374 = arith.constant 0 : i32
      %cond3A_375 = arith.cmpi ne, %convert_element_type3A_373, %cond3A_374 : i32
      scf.if %cond3A_375 {
        %add3A_446 = arith.constant 2 : i32
        %add3A_447 = arith.addi %add3A_341, %add3A_446 : i32
        %mul3A_448 = arith.constant 32 : i32
        %mul3A_449 = arith.muli %add3A_447, %mul3A_448 : i32
        %add3A_450 = arith.constant 0 : i32
        %add3A_451 = arith.addi %mul3A_449, %add3A_450 : i32
        %get3A_452 = arith.index_cast %add3A_451 : i32 to index
        %get3A_453 = tpu.vector_load %arg7[%get3A_452] {strides = array<i32>} : memref<1024xf32, #tpu.memory_space<vmem>>, vector<16xf32>,
        %get3A_454 = vector.shape_cast %get3A_453 : vector<16xf32> to vector<16xf32>
        %get3A_455 = arith.index_cast %add3A_451 : i32 to index
        %get3A_456 = tpu.vector_load %arg8[%get3A_455] {strides = array<i32>} : memref<1024xf32, #tpu.memory_space<vmem>>, vector<16xf32>,
        %get3A_457 = vector.shape_cast %get3A_456 : vector<16xf32> to vector<16xf32>
        %ge3A_458 = arith.cmpf oge, %get3A_454, %get3A_457 : vector<16xf32>
        %broadcast_in_dim3A_459 = arith.constant 0 : i32
        %broadcast_in_dim3A_460 = vector.broadcast %broadcast_in_dim3A_459 : i32 to vector<16xi32>
        %broadcast_in_dim3A_461 = arith.constant 32768 : i32
        %broadcast_in_dim3A_462 = vector.broadcast %broadcast_in_dim3A_461 : i32 to vector<16xi32>
        %select_n3A_463 = arith.select %ge3A_458, %broadcast_in_dim3A_460, %broadcast_in_dim3A_462 : vector<16xi1>, vector<16xi32>
        %add3A_464 = arith.addi %mul3A_2, %add3A_451 : i32
        %iota3A_465 = tpu.iota {dimensions = array<i32: 0>} : vector<16xi32>
        %add3A_466 = vector.broadcast %add3A_464 : i32 to vector<16xi32>
        %add3A_467 = arith.addi %add3A_466, %iota3A_465 : vector<16xi32>
        %add3A_468 = arith.addi %add3A_467, %select_n3A_463 : vector<16xi32>
        %swap3A_469 = arith.index_cast %add3A_451 : i32 to index
        %swap3A_470 = tpu.vector_load %arg6[%swap3A_469] {strides = array<i32>} : memref<1024xi32, #tpu.memory_space<vmem>>, vector<16xi32>,
        %swap3A_471 = vector.shape_cast %swap3A_470 : vector<16xi32> to vector<16xi32>
        %swap3A_472 = vector.shape_cast %add3A_468 : vector<16xi32> to vector<16xi32>
        tpu.vector_store %arg6[%swap3A_469], %swap3A_472 {strides = array<i32>} : memref<1024xi32, #tpu.memory_space<vmem>>, vector<16xi32>,
        %mul3A_473 = arith.constant 32 : i32
        %mul3A_474 = arith.muli %add3A_447, %mul3A_473 : i32
        %add3A_475 = arith.constant 16 : i32
        %add3A_476 = arith.addi %mul3A_474, %add3A_475 : i32
        %get3A_477 = arith.index_cast %add3A_476 : i32 to index
        %get3A_478 = tpu.vector_load %arg7[%get3A_477] {strides = array<i32>} : memref<1024xf32, #tpu.memory_space<vmem>>, vector<16xf32>,
        %get3A_479 = vector.shape_cast %get3A_478 : vector<16xf32> to vector<16xf32>
        %get3A_480 = arith.index_cast %add3A_476 : i32 to index
        %get3A_481 = tpu.vector_load %arg8[%get3A_480] {strides = array<i32>} : memref<1024xf32, #tpu.memory_space<vmem>>, vector<16xf32>,
        %get3A_482 = vector.shape_cast %get3A_481 : vector<16xf32> to vector<16xf32>
        %ge3A_483 = arith.cmpf oge, %get3A_479, %get3A_482 : vector<16xf32>
        %broadcast_in_dim3A_484 = arith.constant 0 : i32
        %broadcast_in_dim3A_485 = vector.broadcast %broadcast_in_dim3A_484 : i32 to vector<16xi32>
        %broadcast_in_dim3A_486 = arith.constant 32768 : i32
        %broadcast_in_dim3A_487 = vector.broadcast %broadcast_in_dim3A_486 : i32 to vector<16xi32>
        %select_n3A_488 = arith.select %ge3A_483, %broadcast_in_dim3A_485, %broadcast_in_dim3A_487 : vector<16xi1>, vector<16xi32>
        %add3A_489 = arith.addi %mul3A_2, %add3A_476 : i32
        %iota3A_490 = tpu.iota {dimensions = array<i32: 0>} : vector<16xi32>
        %add3A_491 = vector.broadcast %add3A_489 : i32 to vector<16xi32>
        %add3A_492 = arith.addi %add3A_491, %iota3A_490 : vector<16xi32>
        %add3A_493 = arith.addi %add3A_492, %select_n3A_488 : vector<16xi32>
        %swap3A_494 = arith.index_cast %add3A_476 : i32 to index
        %swap3A_495 = tpu.vector_load %arg6[%swap3A_494] {strides = array<i32>} : memref<1024xi32, #tpu.memory_space<vmem>>, vector<16xi32>,
        %swap3A_496 = vector.shape_cast %swap3A_495 : vector<16xi32> to vector<16xi32>
        %swap3A_497 = vector.shape_cast %add3A_493 : vector<16xi32> to vector<16xi32>
        tpu.vector_store %arg6[%swap3A_494], %swap3A_497 {strides = array<i32>} : memref<1024xi32, #tpu.memory_space<vmem>>, vector<16xi32>,
        %ge3A_498 = arith.constant 1 : i32
        %ge3A_499 = arith.cmpi sge, %add3A_341, %ge3A_498 : i32
        %convert_element_type3A_500 = arith.extui %ge3A_499 : i1 to i32
        %cond3A_501 = arith.constant 0 : i32
        %cond3A_502 = arith.cmpi ne, %convert_element_type3A_500, %cond3A_501 : i32
        scf.if %cond3A_502 {
          %sub3A = arith.constant 1 : i32
          %sub3A_516 = arith.subi %add3A_341, %sub3A : i32
          %mul3A_517 = arith.constant 32 : i32
          %mul3A_518 = arith.muli %sub3A_516, %mul3A_517 : i32
          %add3A_519 = arith.addi %mul3A_2, %mul3A_518 : i32
          %dma_wait3A_520 = arith.constant 0 : i32
          %dma_wait3A_521 = arith.constant 0 : i32
          %dma_wait3A_522 = arith.constant 0 : i32
          %dma_wait3A_523 = tpu.memref_slice %arg9[%dma_wait3A_520, %dma_wait3A_521, %dma_wait3A_522] : memref<3x32x1024xf32, #tpu.memory_space<vmem>> -> memref<1x32x1024xf32, #tpu.memory_space<vmem>>
          %dma_wait3A_524 = tpu.memref_squeeze %dma_wait3A_523 : memref<1x32x1024xf32, #tpu.memory_space<vmem>> -> memref<32x1024xf32, #tpu.memory_space<vmem>>
          %dma_wait3A_525 = arith.constant 0 : i32
          %dma_wait3A_526 = tpu.memref_slice %arg4[%add3A_519, %dma_wait3A_525] : memref<32768x1024xf32, #tpu.memory_space<hbm>> -> memref<32x1024xf32, #tpu.memory_space<hbm>>
          %dma_wait3A_527 = arith.constant 0 : i32
          %dma_wait3A_528 = tpu.memref_slice %arg4[%add3A_519, %dma_wait3A_527] : memref<32768x1024xf32, #tpu.memory_space<hbm>> -> memref<32x1024xf32, #tpu.memory_space<hbm>>
          %dma_wait3A_529 = arith.constant 0 : i32
          %dma_wait3A_530 = arith.constant 0 : i32
          %dma_wait3A_531 = tpu.memref_slice %arg9[%dma_wait3A_520, %dma_wait3A_529, %dma_wait3A_530] : memref<3x32x1024xf32, #tpu.memory_space<vmem>> -> memref<1x32x1024xf32, #tpu.memory_space<vmem>>
          %dma_wait3A_532 = tpu.memref_squeeze %dma_wait3A_531 : memref<1x32x1024xf32, #tpu.memory_space<vmem>> -> memref<32x1024xf32, #tpu.memory_space<vmem>>
          tpu.wait_dma2 semaphore(%arg13 : memref<!tpu.dma_semaphore, #tpu.memory_space<semaphore_mem>>) src(%dma_wait3A_532 : memref<32x1024xf32, #tpu.memory_space<vmem>>) dst(%dma_wait3A_528 : memref<32x1024xf32, #tpu.memory_space<hbm>>)
          %sub3A_533 = arith.constant 1 : i32
          %sub3A_534 = arith.subi %add3A_341, %sub3A_533 : i32
          %mul3A_535 = arith.constant 32 : i32
          %mul3A_536 = arith.muli %sub3A_534, %mul3A_535 : i32
          %add3A_537 = arith.addi %mul3A_2, %mul3A_536 : i32
          %dma_wait3A_538 = arith.constant 0 : i32
          %dma_wait3A_539 = arith.constant 0 : i32
          %dma_wait3A_540 = arith.constant 0 : i32
          %dma_wait3A_541 = tpu.memref_slice %arg9[%dma_wait3A_538, %dma_wait3A_539, %dma_wait3A_540] : memref<3x32x1024xf32, #tpu.memory_space<vmem>> -> memref<1x32x1024xf32, #tpu.memory_space<vmem>>
          %dma_wait3A_542 = tpu.memref_squeeze %dma_wait3A_541 : memref<1x32x1024xf32, #tpu.memory_space<vmem>> -> memref<32x1024xf32, #tpu.memory_space<vmem>>
          %dma_wait3A_543 = arith.constant 0 : i32
          %dma_wait3A_544 = tpu.memref_slice %arg5[%add3A_537, %dma_wait3A_543] : memref<32768x1024xf32, #tpu.memory_space<hbm>> -> memref<32x1024xf32, #tpu.memory_space<hbm>>
          %dma_wait3A_545 = arith.constant 0 : i32
          %dma_wait3A_546 = tpu.memref_slice %arg5[%add3A_537, %dma_wait3A_545] : memref<32768x1024xf32, #tpu.memory_space<hbm>> -> memref<32x1024xf32, #tpu.memory_space<hbm>>
          %dma_wait3A_547 = arith.constant 0 : i32
          %dma_wait3A_548 = arith.constant 0 : i32
          %dma_wait3A_549 = tpu.memref_slice %arg9[%dma_wait3A_538, %dma_wait3A_547, %dma_wait3A_548] : memref<3x32x1024xf32, #tpu.memory_space<vmem>> -> memref<1x32x1024xf32, #tpu.memory_space<vmem>>
          %dma_wait3A_550 = tpu.memref_squeeze %dma_wait3A_549 : memref<1x32x1024xf32, #tpu.memory_space<vmem>> -> memref<32x1024xf32, #tpu.memory_space<vmem>>
          tpu.wait_dma2 semaphore(%arg16 : memref<!tpu.dma_semaphore, #tpu.memory_space<semaphore_mem>>) src(%dma_wait3A_550 : memref<32x1024xf32, #tpu.memory_space<vmem>>) dst(%dma_wait3A_546 : memref<32x1024xf32, #tpu.memory_space<hbm>>)
        } else {
        }
        %add3A_503 = arith.constant 2 : i32
        %add3A_504 = arith.addi %add3A_341, %add3A_503 : i32
        %mul3A_505 = arith.constant 32 : i32
        %mul3A_506 = arith.muli %add3A_504, %mul3A_505 : i32
        %dma_start3A_507 = arith.constant 0 : i32
        %dma_start3A_508 = arith.constant 0 : i32
        %dma_start3A_509 = arith.constant 0 : i32
        %dma_start3A_510 = tpu.memref_slice %arg9[%dma_start3A_507, %dma_start3A_508, %dma_start3A_509] : memref<3x32x1024xf32, #tpu.memory_space<vmem>> -> memref<1x32x1024xf32, #tpu.memory_space<vmem>>
        %dma_start3A_511 = tpu.memref_squeeze %dma_start3A_510 : memref<1x32x1024xf32, #tpu.memory_space<vmem>> -> memref<32x1024xf32, #tpu.memory_space<vmem>>
        %dma_start3A_512 = tpu.memref_slice %arg6[%mul3A_506] : memref<1024xi32, #tpu.memory_space<vmem>> -> memref<32xi32, #tpu.memory_space<vmem>>
        %dma_start3A_513 = arith.constant 0 : i32
        %dma_start3A_514 = arith.constant 0 : i32
        %dma_start3A_515 = tpu.memref_slice %arg2[%dma_start3A_513, %dma_start3A_514] : memref<65536x1024xf32, #tpu.memory_space<hbm>> -> memref<65536x1024xf32, #tpu.memory_space<hbm>>
        tpu.enqueue_indirect_dma source(%dma_start3A_515 : memref<65536x1024xf32, #tpu.memory_space<hbm>>) target(%dma_start3A_511 : memref<32x1024xf32, #tpu.memory_space<vmem>>) offsets(%dma_start3A_512 : memref<32xi32, #tpu.memory_space<vmem>>) semaphore(%arg10 : memref<!tpu.dma_semaphore, #tpu.memory_space<semaphore_mem>>)
      } else {
      }
      %mul3A_376 = arith.constant 32 : i32
      %mul3A_377 = arith.muli %add3A_341, %mul3A_376 : i32
      %add3A_378 = arith.addi %mul3A_2, %mul3A_377 : i32
      %dma_start3A_379 = arith.constant 1 : i32
      %dma_start3A_380 = arith.constant 0 : i32
      %dma_start3A_381 = arith.constant 0 : i32
      %dma_start3A_382 = tpu.memref_slice %arg9[%dma_start3A_379, %dma_start3A_380, %dma_start3A_381] : memref<3x32x1024xf32, #tpu.memory_space<vmem>> -> memref<1x32x1024xf32, #tpu.memory_space<vmem>>
      %dma_start3A_383 = tpu.memref_squeeze %dma_start3A_382 : memref<1x32x1024xf32, #tpu.memory_space<vmem>> -> memref<32x1024xf32, #tpu.memory_space<vmem>>
      %dma_start3A_384 = arith.constant 0 : i32
      %dma_start3A_385 = tpu.memref_slice %arg5[%add3A_378, %dma_start3A_384] : memref<32768x1024xf32, #tpu.memory_space<hbm>> -> memref<32x1024xf32, #tpu.memory_space<hbm>>
      %dma_start3A_386 = arith.constant 0 : i32
      %dma_start3A_387 = tpu.memref_slice %arg5[%add3A_378, %dma_start3A_386] : memref<32768x1024xf32, #tpu.memory_space<hbm>> -> memref<32x1024xf32, #tpu.memory_space<hbm>>
      %dma_start3A_388 = arith.constant 0 : i32
      %dma_start3A_389 = arith.constant 0 : i32
      %dma_start3A_390 = tpu.memref_slice %arg9[%dma_start3A_379, %dma_start3A_388, %dma_start3A_389] : memref<3x32x1024xf32, #tpu.memory_space<vmem>> -> memref<1x32x1024xf32, #tpu.memory_space<vmem>>
      %dma_start3A_391 = tpu.memref_squeeze %dma_start3A_390 : memref<1x32x1024xf32, #tpu.memory_space<vmem>> -> memref<32x1024xf32, #tpu.memory_space<vmem>>
      tpu.enqueue_dma source(%dma_start3A_391 : memref<32x1024xf32, #tpu.memory_space<vmem>>) target(%dma_start3A_387 : memref<32x1024xf32, #tpu.memory_space<hbm>>) target_semaphore(%arg17 : memref<!tpu.dma_semaphore, #tpu.memory_space<semaphore_mem>>)
      %mul3A_392 = arith.constant 3 : i32
      %mul3A_393 = arith.muli %mul3A_392, %scan3A_288 : i32
      %add3A_394 = arith.constant 2 : i32
      %add3A_395 = arith.addi %mul3A_393, %add3A_394 : i32
      %mul3A_396 = arith.constant 32 : i32
      %mul3A_397 = arith.muli %add3A_395, %mul3A_396 : i32
      %dma_wait3A_398 = arith.constant 2 : i32
      %dma_wait3A_399 = arith.constant 0 : i32
      %dma_wait3A_400 = arith.constant 0 : i32
      %dma_wait3A_401 = tpu.memref_slice %arg9[%dma_wait3A_398, %dma_wait3A_399, %dma_wait3A_400] : memref<3x32x1024xf32, #tpu.memory_space<vmem>> -> memref<1x32x1024xf32, #tpu.memory_space<vmem>>
      %dma_wait3A_402 = tpu.memref_squeeze %dma_wait3A_401 : memref<1x32x1024xf32, #tpu.memory_space<vmem>> -> memref<32x1024xf32, #tpu.memory_space<vmem>>
      %dma_wait3A_403 = tpu.memref_slice %arg6[%mul3A_397] : memref<1024xi32, #tpu.memory_space<vmem>> -> memref<32xi32, #tpu.memory_space<vmem>>
      %dma_wait3A_404 = arith.constant 0 : i32
      %dma_wait3A_405 = arith.constant 0 : i32
      %dma_wait3A_406 = tpu.memref_slice %arg2[%dma_wait3A_404, %dma_wait3A_405] : memref<65536x1024xf32, #tpu.memory_space<hbm>> -> memref<65536x1024xf32, #tpu.memory_space<hbm>>
      tpu.wait_indirect_dma semaphore(%arg12 : memref<!tpu.dma_semaphore, #tpu.memory_space<semaphore_mem>>) src(%dma_wait3A_406 : memref<65536x1024xf32, #tpu.memory_space<hbm>>) dst(%dma_wait3A_402 : memref<32x1024xf32, #tpu.memory_space<vmem>>)
      %mul3A_407 = arith.constant 32 : i32
      %mul3A_408 = arith.muli %add3A_395, %mul3A_407 : i32
      %add3A_409 = arith.addi %mul3A_2, %mul3A_408 : i32
      %dma_start3A_410 = arith.constant 2 : i32
      %dma_start3A_411 = arith.constant 0 : i32
      %dma_start3A_412 = arith.constant 0 : i32
      %dma_start3A_413 = tpu.memref_slice %arg9[%dma_start3A_410, %dma_start3A_411, %dma_start3A_412] : memref<3x32x1024xf32, #tpu.memory_space<vmem>> -> memref<1x32x1024xf32, #tpu.memory_space<vmem>>
      %dma_start3A_414 = tpu.memref_squeeze %dma_start3A_413 : memref<1x32x1024xf32, #tpu.memory_space<vmem>> -> memref<32x1024xf32, #tpu.memory_space<vmem>>
      %dma_start3A_415 = arith.constant 0 : i32
      %dma_start3A_416 = tpu.memref_slice %arg4[%add3A_409, %dma_start3A_415] : memref<32768x1024xf32, #tpu.memory_space<hbm>> -> memref<32x1024xf32, #tpu.memory_space<hbm>>
      %dma_start3A_417 = arith.constant 0 : i32
      %dma_start3A_418 = tpu.memref_slice %arg4[%add3A_409, %dma_start3A_417] : memref<32768x1024xf32, #tpu.memory_space<hbm>> -> memref<32x1024xf32, #tpu.memory_space<hbm>>
      %dma_start3A_419 = arith.constant 0 : i32
      %dma_start3A_420 = arith.constant 0 : i32
      %dma_start3A_421 = tpu.memref_slice %arg9[%dma_start3A_410, %dma_start3A_419, %dma_start3A_420] : memref<3x32x1024xf32, #tpu.memory_space<vmem>> -> memref<1x32x1024xf32, #tpu.memory_space<vmem>>
      %dma_start3A_422 = tpu.memref_squeeze %dma_start3A_421 : memref<1x32x1024xf32, #tpu.memory_space<vmem>> -> memref<32x1024xf32, #tpu.memory_space<vmem>>
      tpu.enqueue_dma source(%dma_start3A_422 : memref<32x1024xf32, #tpu.memory_space<vmem>>) target(%dma_start3A_418 : memref<32x1024xf32, #tpu.memory_space<hbm>>) target_semaphore(%arg15 : memref<!tpu.dma_semaphore, #tpu.memory_space<semaphore_mem>>)
      %add3A_423 = arith.constant 2 : i32
      %add3A_424 = arith.addi %add3A_395, %add3A_423 : i32
      %lt3A_425 = arith.constant 32 : i32
      %lt3A_426 = arith.cmpi slt, %add3A_424, %lt3A_425 : i32
      %convert_element_type3A_427 = arith.extui %lt3A_426 : i1 to i32
      %cond3A_428 = arith.constant 0 : i32
      %cond3A_429 = arith.cmpi ne, %convert_element_type3A_427, %cond3A_428 : i32
      scf.if %cond3A_429 {
        %add3A_446 = arith.constant 2 : i32
        %add3A_447 = arith.addi %add3A_395, %add3A_446 : i32
        %mul3A_448 = arith.constant 32 : i32
        %mul3A_449 = arith.muli %add3A_447, %mul3A_448 : i32
        %add3A_450 = arith.constant 0 : i32
        %add3A_451 = arith.addi %mul3A_449, %add3A_450 : i32
        %get3A_452 = arith.index_cast %add3A_451 : i32 to index
        %get3A_453 = tpu.vector_load %arg7[%get3A_452] {strides = array<i32>} : memref<1024xf32, #tpu.memory_space<vmem>>, vector<16xf32>,
        %get3A_454 = vector.shape_cast %get3A_453 : vector<16xf32> to vector<16xf32>
        %get3A_455 = arith.index_cast %add3A_451 : i32 to index
        %get3A_456 = tpu.vector_load %arg8[%get3A_455] {strides = array<i32>} : memref<1024xf32, #tpu.memory_space<vmem>>, vector<16xf32>,
        %get3A_457 = vector.shape_cast %get3A_456 : vector<16xf32> to vector<16xf32>
        %ge3A_458 = arith.cmpf oge, %get3A_454, %get3A_457 : vector<16xf32>
        %broadcast_in_dim3A_459 = arith.constant 0 : i32
        %broadcast_in_dim3A_460 = vector.broadcast %broadcast_in_dim3A_459 : i32 to vector<16xi32>
        %broadcast_in_dim3A_461 = arith.constant 32768 : i32
        %broadcast_in_dim3A_462 = vector.broadcast %broadcast_in_dim3A_461 : i32 to vector<16xi32>
        %select_n3A_463 = arith.select %ge3A_458, %broadcast_in_dim3A_460, %broadcast_in_dim3A_462 : vector<16xi1>, vector<16xi32>
        %add3A_464 = arith.addi %mul3A_2, %add3A_451 : i32
        %iota3A_465 = tpu.iota {dimensions = array<i32: 0>} : vector<16xi32>
        %add3A_466 = vector.broadcast %add3A_464 : i32 to vector<16xi32>
        %add3A_467 = arith.addi %add3A_466, %iota3A_465 : vector<16xi32>
        %add3A_468 = arith.addi %add3A_467, %select_n3A_463 : vector<16xi32>
        %swap3A_469 = arith.index_cast %add3A_451 : i32 to index
        %swap3A_470 = tpu.vector_load %arg6[%swap3A_469] {strides = array<i32>} : memref<1024xi32, #tpu.memory_space<vmem>>, vector<16xi32>,
        %swap3A_471 = vector.shape_cast %swap3A_470 : vector<16xi32> to vector<16xi32>
        %swap3A_472 = vector.shape_cast %add3A_468 : vector<16xi32> to vector<16xi32>
        tpu.vector_store %arg6[%swap3A_469], %swap3A_472 {strides = array<i32>} : memref<1024xi32, #tpu.memory_space<vmem>>, vector<16xi32>,
        %mul3A_473 = arith.constant 32 : i32
        %mul3A_474 = arith.muli %add3A_447, %mul3A_473 : i32
        %add3A_475 = arith.constant 16 : i32
        %add3A_476 = arith.addi %mul3A_474, %add3A_475 : i32
        %get3A_477 = arith.index_cast %add3A_476 : i32 to index
        %get3A_478 = tpu.vector_load %arg7[%get3A_477] {strides = array<i32>} : memref<1024xf32, #tpu.memory_space<vmem>>, vector<16xf32>,
        %get3A_479 = vector.shape_cast %get3A_478 : vector<16xf32> to vector<16xf32>
        %get3A_480 = arith.index_cast %add3A_476 : i32 to index
        %get3A_481 = tpu.vector_load %arg8[%get3A_480] {strides = array<i32>} : memref<1024xf32, #tpu.memory_space<vmem>>, vector<16xf32>,
        %get3A_482 = vector.shape_cast %get3A_481 : vector<16xf32> to vector<16xf32>
        %ge3A_483 = arith.cmpf oge, %get3A_479, %get3A_482 : vector<16xf32>
        %broadcast_in_dim3A_484 = arith.constant 0 : i32
        %broadcast_in_dim3A_485 = vector.broadcast %broadcast_in_dim3A_484 : i32 to vector<16xi32>
        %broadcast_in_dim3A_486 = arith.constant 32768 : i32
        %broadcast_in_dim3A_487 = vector.broadcast %broadcast_in_dim3A_486 : i32 to vector<16xi32>
        %select_n3A_488 = arith.select %ge3A_483, %broadcast_in_dim3A_485, %broadcast_in_dim3A_487 : vector<16xi1>, vector<16xi32>
        %add3A_489 = arith.addi %mul3A_2, %add3A_476 : i32
        %iota3A_490 = tpu.iota {dimensions = array<i32: 0>} : vector<16xi32>
        %add3A_491 = vector.broadcast %add3A_489 : i32 to vector<16xi32>
        %add3A_492 = arith.addi %add3A_491, %iota3A_490 : vector<16xi32>
        %add3A_493 = arith.addi %add3A_492, %select_n3A_488 : vector<16xi32>
        %swap3A_494 = arith.index_cast %add3A_476 : i32 to index
        %swap3A_495 = tpu.vector_load %arg6[%swap3A_494] {strides = array<i32>} : memref<1024xi32, #tpu.memory_space<vmem>>, vector<16xi32>,
        %swap3A_496 = vector.shape_cast %swap3A_495 : vector<16xi32> to vector<16xi32>
        %swap3A_497 = vector.shape_cast %add3A_493 : vector<16xi32> to vector<16xi32>
        tpu.vector_store %arg6[%swap3A_494], %swap3A_497 {strides = array<i32>} : memref<1024xi32, #tpu.memory_space<vmem>>, vector<16xi32>,
        %ge3A_498 = arith.constant 1 : i32
        %ge3A_499 = arith.cmpi sge, %add3A_395, %ge3A_498 : i32
        %convert_element_type3A_500 = arith.extui %ge3A_499 : i1 to i32
        %cond3A_501 = arith.constant 0 : i32
        %cond3A_502 = arith.cmpi ne, %convert_element_type3A_500, %cond3A_501 : i32
        scf.if %cond3A_502 {
          %sub3A = arith.constant 1 : i32
          %sub3A_516 = arith.subi %add3A_395, %sub3A : i32
          %mul3A_517 = arith.constant 32 : i32
          %mul3A_518 = arith.muli %sub3A_516, %mul3A_517 : i32
          %add3A_519 = arith.addi %mul3A_2, %mul3A_518 : i32
          %dma_wait3A_520 = arith.constant 1 : i32
          %dma_wait3A_521 = arith.constant 0 : i32
          %dma_wait3A_522 = arith.constant 0 : i32
          %dma_wait3A_523 = tpu.memref_slice %arg9[%dma_wait3A_520, %dma_wait3A_521, %dma_wait3A_522] : memref<3x32x1024xf32, #tpu.memory_space<vmem>> -> memref<1x32x1024xf32, #tpu.memory_space<vmem>>
          %dma_wait3A_524 = tpu.memref_squeeze %dma_wait3A_523 : memref<1x32x1024xf32, #tpu.memory_space<vmem>> -> memref<32x1024xf32, #tpu.memory_space<vmem>>
          %dma_wait3A_525 = arith.constant 0 : i32
          %dma_wait3A_526 = tpu.memref_slice %arg4[%add3A_519, %dma_wait3A_525] : memref<32768x1024xf32, #tpu.memory_space<hbm>> -> memref<32x1024xf32, #tpu.memory_space<hbm>>
          %dma_wait3A_527 = arith.constant 0 : i32
          %dma_wait3A_528 = tpu.memref_slice %arg4[%add3A_519, %dma_wait3A_527] : memref<32768x1024xf32, #tpu.memory_space<hbm>> -> memref<32x1024xf32, #tpu.memory_space<hbm>>
          %dma_wait3A_529 = arith.constant 0 : i32
          %dma_wait3A_530 = arith.constant 0 : i32
          %dma_wait3A_531 = tpu.memref_slice %arg9[%dma_wait3A_520, %dma_wait3A_529, %dma_wait3A_530] : memref<3x32x1024xf32, #tpu.memory_space<vmem>> -> memref<1x32x1024xf32, #tpu.memory_space<vmem>>
          %dma_wait3A_532 = tpu.memref_squeeze %dma_wait3A_531 : memref<1x32x1024xf32, #tpu.memory_space<vmem>> -> memref<32x1024xf32, #tpu.memory_space<vmem>>
          tpu.wait_dma2 semaphore(%arg14 : memref<!tpu.dma_semaphore, #tpu.memory_space<semaphore_mem>>) src(%dma_wait3A_532 : memref<32x1024xf32, #tpu.memory_space<vmem>>) dst(%dma_wait3A_528 : memref<32x1024xf32, #tpu.memory_space<hbm>>)
          %sub3A_533 = arith.constant 1 : i32
          %sub3A_534 = arith.subi %add3A_395, %sub3A_533 : i32
          %mul3A_535 = arith.constant 32 : i32
          %mul3A_536 = arith.muli %sub3A_534, %mul3A_535 : i32
          %add3A_537 = arith.addi %mul3A_2, %mul3A_536 : i32
          %dma_wait3A_538 = arith.constant 1 : i32
          %dma_wait3A_539 = arith.constant 0 : i32
          %dma_wait3A_540 = arith.constant 0 : i32
          %dma_wait3A_541 = tpu.memref_slice %arg9[%dma_wait3A_538, %dma_wait3A_539, %dma_wait3A_540] : memref<3x32x1024xf32, #tpu.memory_space<vmem>> -> memref<1x32x1024xf32, #tpu.memory_space<vmem>>
          %dma_wait3A_542 = tpu.memref_squeeze %dma_wait3A_541 : memref<1x32x1024xf32, #tpu.memory_space<vmem>> -> memref<32x1024xf32, #tpu.memory_space<vmem>>
          %dma_wait3A_543 = arith.constant 0 : i32
          %dma_wait3A_544 = tpu.memref_slice %arg5[%add3A_537, %dma_wait3A_543] : memref<32768x1024xf32, #tpu.memory_space<hbm>> -> memref<32x1024xf32, #tpu.memory_space<hbm>>
          %dma_wait3A_545 = arith.constant 0 : i32
          %dma_wait3A_546 = tpu.memref_slice %arg5[%add3A_537, %dma_wait3A_545] : memref<32768x1024xf32, #tpu.memory_space<hbm>> -> memref<32x1024xf32, #tpu.memory_space<hbm>>
          %dma_wait3A_547 = arith.constant 0 : i32
          %dma_wait3A_548 = arith.constant 0 : i32
          %dma_wait3A_549 = tpu.memref_slice %arg9[%dma_wait3A_538, %dma_wait3A_547, %dma_wait3A_548] : memref<3x32x1024xf32, #tpu.memory_space<vmem>> -> memref<1x32x1024xf32, #tpu.memory_space<vmem>>
          %dma_wait3A_550 = tpu.memref_squeeze %dma_wait3A_549 : memref<1x32x1024xf32, #tpu.memory_space<vmem>> -> memref<32x1024xf32, #tpu.memory_space<vmem>>
          tpu.wait_dma2 semaphore(%arg17 : memref<!tpu.dma_semaphore, #tpu.memory_space<semaphore_mem>>) src(%dma_wait3A_550 : memref<32x1024xf32, #tpu.memory_space<vmem>>) dst(%dma_wait3A_546 : memref<32x1024xf32, #tpu.memory_space<hbm>>)
        } else {
        }
        %add3A_503 = arith.constant 2 : i32
        %add3A_504 = arith.addi %add3A_395, %add3A_503 : i32
        %mul3A_505 = arith.constant 32 : i32
        %mul3A_506 = arith.muli %add3A_504, %mul3A_505 : i32
        %dma_start3A_507 = arith.constant 1 : i32
        %dma_start3A_508 = arith.constant 0 : i32
        %dma_start3A_509 = arith.constant 0 : i32
        %dma_start3A_510 = tpu.memref_slice %arg9[%dma_start3A_507, %dma_start3A_508, %dma_start3A_509] : memref<3x32x1024xf32, #tpu.memory_space<vmem>> -> memref<1x32x1024xf32, #tpu.memory_space<vmem>>
        %dma_start3A_511 = tpu.memref_squeeze %dma_start3A_510 : memref<1x32x1024xf32, #tpu.memory_space<vmem>> -> memref<32x1024xf32, #tpu.memory_space<vmem>>
        %dma_start3A_512 = tpu.memref_slice %arg6[%mul3A_506] : memref<1024xi32, #tpu.memory_space<vmem>> -> memref<32xi32, #tpu.memory_space<vmem>>
        %dma_start3A_513 = arith.constant 0 : i32
        %dma_start3A_514 = arith.constant 0 : i32
        %dma_start3A_515 = tpu.memref_slice %arg2[%dma_start3A_513, %dma_start3A_514] : memref<65536x1024xf32, #tpu.memory_space<hbm>> -> memref<65536x1024xf32, #tpu.memory_space<hbm>>
        tpu.enqueue_indirect_dma source(%dma_start3A_515 : memref<65536x1024xf32, #tpu.memory_space<hbm>>) target(%dma_start3A_511 : memref<32x1024xf32, #tpu.memory_space<vmem>>) offsets(%dma_start3A_512 : memref<32xi32, #tpu.memory_space<vmem>>) semaphore(%arg11 : memref<!tpu.dma_semaphore, #tpu.memory_space<semaphore_mem>>)
      } else {
      }
      %mul3A_430 = arith.constant 32 : i32
      %mul3A_431 = arith.muli %add3A_395, %mul3A_430 : i32
      %add3A_432 = arith.addi %mul3A_2, %mul3A_431 : i32
      %dma_start3A_433 = arith.constant 2 : i32
      %dma_start3A_434 = arith.constant 0 : i32
      %dma_start3A_435 = arith.constant 0 : i32
      %dma_start3A_436 = tpu.memref_slice %arg9[%dma_start3A_433, %dma_start3A_434, %dma_start3A_435] : memref<3x32x1024xf32, #tpu.memory_space<vmem>> -> memref<1x32x1024xf32, #tpu.memory_space<vmem>>
      %dma_start3A_437 = tpu.memref_squeeze %dma_start3A_436 : memref<1x32x1024xf32, #tpu.memory_space<vmem>> -> memref<32x1024xf32, #tpu.memory_space<vmem>>
      %dma_start3A_438 = arith.constant 0 : i32
      %dma_start3A_439 = tpu.memref_slice %arg5[%add3A_432, %dma_start3A_438] : memref<32768x1024xf32, #tpu.memory_space<hbm>> -> memref<32x1024xf32, #tpu.memory_space<hbm>>
      %dma_start3A_440 = arith.constant 0 : i32
      %dma_start3A_441 = tpu.memref_slice %arg5[%add3A_432, %dma_start3A_440] : memref<32768x1024xf32, #tpu.memory_space<hbm>> -> memref<32x1024xf32, #tpu.memory_space<hbm>>
      %dma_start3A_442 = arith.constant 0 : i32
      %dma_start3A_443 = arith.constant 0 : i32
      %dma_start3A_444 = tpu.memref_slice %arg9[%dma_start3A_433, %dma_start3A_442, %dma_start3A_443] : memref<3x32x1024xf32, #tpu.memory_space<vmem>> -> memref<1x32x1024xf32, #tpu.memory_space<vmem>>
      %dma_start3A_445 = tpu.memref_squeeze %dma_start3A_444 : memref<1x32x1024xf32, #tpu.memory_space<vmem>> -> memref<32x1024xf32, #tpu.memory_space<vmem>>
      tpu.enqueue_dma source(%dma_start3A_445 : memref<32x1024xf32, #tpu.memory_space<vmem>>) target(%dma_start3A_441 : memref<32x1024xf32, #tpu.memory_space<hbm>>) target_semaphore(%arg18 : memref<!tpu.dma_semaphore, #tpu.memory_space<semaphore_mem>>)
    }
    %scan3A_117 = arith.constant 10 : i32
    %dma_wait3A_118 = arith.constant 0 : i32
    %dma_wait3A_119 = arith.constant 0 : i32
    %dma_wait3A_120 = arith.constant 0 : i32
    %dma_wait3A_121 = tpu.memref_slice %arg9[%dma_wait3A_118, %dma_wait3A_119, %dma_wait3A_120] : memref<3x32x1024xf32, #tpu.memory_space<vmem>> -> memref<1x32x1024xf32, #tpu.memory_space<vmem>>
    %dma_wait3A_122 = tpu.memref_squeeze %dma_wait3A_121 : memref<1x32x1024xf32, #tpu.memory_space<vmem>> -> memref<32x1024xf32, #tpu.memory_space<vmem>>
    %dma_wait3A_123 = arith.constant 960 : i32
    %dma_wait3A_124 = tpu.memref_slice %arg6[%dma_wait3A_123] : memref<1024xi32, #tpu.memory_space<vmem>> -> memref<32xi32, #tpu.memory_space<vmem>>
    %dma_wait3A_125 = arith.constant 0 : i32
    %dma_wait3A_126 = arith.constant 0 : i32
    %dma_wait3A_127 = tpu.memref_slice %arg2[%dma_wait3A_125, %dma_wait3A_126] : memref<65536x1024xf32, #tpu.memory_space<hbm>> -> memref<65536x1024xf32, #tpu.memory_space<hbm>>
    tpu.wait_indirect_dma semaphore(%arg10 : memref<!tpu.dma_semaphore, #tpu.memory_space<semaphore_mem>>) src(%dma_wait3A_127 : memref<65536x1024xf32, #tpu.memory_space<hbm>>) dst(%dma_wait3A_122 : memref<32x1024xf32, #tpu.memory_space<vmem>>)
    %add3A_128 = arith.constant 960 : i32
    %add3A_129 = arith.addi %mul3A_2, %add3A_128 : i32
    %dma_start3A_130 = arith.constant 0 : i32
    %dma_start3A_131 = arith.constant 0 : i32
    %dma_start3A_132 = arith.constant 0 : i32
    %dma_start3A_133 = tpu.memref_slice %arg9[%dma_start3A_130, %dma_start3A_131, %dma_start3A_132] : memref<3x32x1024xf32, #tpu.memory_space<vmem>> -> memref<1x32x1024xf32, #tpu.memory_space<vmem>>
    %dma_start3A_134 = tpu.memref_squeeze %dma_start3A_133 : memref<1x32x1024xf32, #tpu.memory_space<vmem>> -> memref<32x1024xf32, #tpu.memory_space<vmem>>
    %dma_start3A_135 = arith.constant 0 : i32
    %dma_start3A_136 = tpu.memref_slice %arg4[%add3A_129, %dma_start3A_135] : memref<32768x1024xf32, #tpu.memory_space<hbm>> -> memref<32x1024xf32, #tpu.memory_space<hbm>>
    %dma_start3A_137 = arith.constant 0 : i32
    %dma_start3A_138 = tpu.memref_slice %arg4[%add3A_129, %dma_start3A_137] : memref<32768x1024xf32, #tpu.memory_space<hbm>> -> memref<32x1024xf32, #tpu.memory_space<hbm>>
    %dma_start3A_139 = arith.constant 0 : i32
    %dma_start3A_140 = arith.constant 0 : i32
    %dma_start3A_141 = tpu.memref_slice %arg9[%dma_start3A_130, %dma_start3A_139, %dma_start3A_140] : memref<3x32x1024xf32, #tpu.memory_space<vmem>> -> memref<1x32x1024xf32, #tpu.memory_space<vmem>>
    %dma_start3A_142 = tpu.memref_squeeze %dma_start3A_141 : memref<1x32x1024xf32, #tpu.memory_space<vmem>> -> memref<32x1024xf32, #tpu.memory_space<vmem>>
    tpu.enqueue_dma source(%dma_start3A_142 : memref<32x1024xf32, #tpu.memory_space<vmem>>) target(%dma_start3A_138 : memref<32x1024xf32, #tpu.memory_space<hbm>>) target_semaphore(%arg13 : memref<!tpu.dma_semaphore, #tpu.memory_space<semaphore_mem>>)
    %add3A_143 = arith.constant 960 : i32
    %add3A_144 = arith.addi %mul3A_2, %add3A_143 : i32
    %dma_start3A_145 = arith.constant 0 : i32
    %dma_start3A_146 = arith.constant 0 : i32
    %dma_start3A_147 = arith.constant 0 : i32
    %dma_start3A_148 = tpu.memref_slice %arg9[%dma_start3A_145, %dma_start3A_146, %dma_start3A_147] : memref<3x32x1024xf32, #tpu.memory_space<vmem>> -> memref<1x32x1024xf32, #tpu.memory_space<vmem>>
    %dma_start3A_149 = tpu.memref_squeeze %dma_start3A_148 : memref<1x32x1024xf32, #tpu.memory_space<vmem>> -> memref<32x1024xf32, #tpu.memory_space<vmem>>
    %dma_start3A_150 = arith.constant 0 : i32
    %dma_start3A_151 = tpu.memref_slice %arg5[%add3A_144, %dma_start3A_150] : memref<32768x1024xf32, #tpu.memory_space<hbm>> -> memref<32x1024xf32, #tpu.memory_space<hbm>>
    %dma_start3A_152 = arith.constant 0 : i32
    %dma_start3A_153 = tpu.memref_slice %arg5[%add3A_144, %dma_start3A_152] : memref<32768x1024xf32, #tpu.memory_space<hbm>> -> memref<32x1024xf32, #tpu.memory_space<hbm>>
    %dma_start3A_154 = arith.constant 0 : i32
    %dma_start3A_155 = arith.constant 0 : i32
    %dma_start3A_156 = tpu.memref_slice %arg9[%dma_start3A_145, %dma_start3A_154, %dma_start3A_155] : memref<3x32x1024xf32, #tpu.memory_space<vmem>> -> memref<1x32x1024xf32, #tpu.memory_space<vmem>>
    %dma_start3A_157 = tpu.memref_squeeze %dma_start3A_156 : memref<1x32x1024xf32, #tpu.memory_space<vmem>> -> memref<32x1024xf32, #tpu.memory_space<vmem>>
    tpu.enqueue_dma source(%dma_start3A_157 : memref<32x1024xf32, #tpu.memory_space<vmem>>) target(%dma_start3A_153 : memref<32x1024xf32, #tpu.memory_space<hbm>>) target_semaphore(%arg16 : memref<!tpu.dma_semaphore, #tpu.memory_space<semaphore_mem>>)
    %dma_wait3A_158 = arith.constant 1 : i32
    %dma_wait3A_159 = arith.constant 0 : i32
    %dma_wait3A_160 = arith.constant 0 : i32
    %dma_wait3A_161 = tpu.memref_slice %arg9[%dma_wait3A_158, %dma_wait3A_159, %dma_wait3A_160] : memref<3x32x1024xf32, #tpu.memory_space<vmem>> -> memref<1x32x1024xf32, #tpu.memory_space<vmem>>
    %dma_wait3A_162 = tpu.memref_squeeze %dma_wait3A_161 : memref<1x32x1024xf32, #tpu.memory_space<vmem>> -> memref<32x1024xf32, #tpu.memory_space<vmem>>
    %dma_wait3A_163 = arith.constant 992 : i32
    %dma_wait3A_164 = tpu.memref_slice %arg6[%dma_wait3A_163] : memref<1024xi32, #tpu.memory_space<vmem>> -> memref<32xi32, #tpu.memory_space<vmem>>
    %dma_wait3A_165 = arith.constant 0 : i32
    %dma_wait3A_166 = arith.constant 0 : i32
    %dma_wait3A_167 = tpu.memref_slice %arg2[%dma_wait3A_165, %dma_wait3A_166] : memref<65536x1024xf32, #tpu.memory_space<hbm>> -> memref<65536x1024xf32, #tpu.memory_space<hbm>>
    tpu.wait_indirect_dma semaphore(%arg11 : memref<!tpu.dma_semaphore, #tpu.memory_space<semaphore_mem>>) src(%dma_wait3A_167 : memref<65536x1024xf32, #tpu.memory_space<hbm>>) dst(%dma_wait3A_162 : memref<32x1024xf32, #tpu.memory_space<vmem>>)
    %add3A_168 = arith.constant 992 : i32
    %add3A_169 = arith.addi %mul3A_2, %add3A_168 : i32
    %dma_start3A_170 = arith.constant 1 : i32
    %dma_start3A_171 = arith.constant 0 : i32
    %dma_start3A_172 = arith.constant 0 : i32
    %dma_start3A_173 = tpu.memref_slice %arg9[%dma_start3A_170, %dma_start3A_171, %dma_start3A_172] : memref<3x32x1024xf32, #tpu.memory_space<vmem>> -> memref<1x32x1024xf32, #tpu.memory_space<vmem>>
    %dma_start3A_174 = tpu.memref_squeeze %dma_start3A_173 : memref<1x32x1024xf32, #tpu.memory_space<vmem>> -> memref<32x1024xf32, #tpu.memory_space<vmem>>
    %dma_start3A_175 = arith.constant 0 : i32
    %dma_start3A_176 = tpu.memref_slice %arg4[%add3A_169, %dma_start3A_175] : memref<32768x1024xf32, #tpu.memory_space<hbm>> -> memref<32x1024xf32, #tpu.memory_space<hbm>>
    %dma_start3A_177 = arith.constant 0 : i32
    %dma_start3A_178 = tpu.memref_slice %arg4[%add3A_169, %dma_start3A_177] : memref<32768x1024xf32, #tpu.memory_space<hbm>> -> memref<32x1024xf32, #tpu.memory_space<hbm>>
    %dma_start3A_179 = arith.constant 0 : i32
    %dma_start3A_180 = arith.constant 0 : i32
    %dma_start3A_181 = tpu.memref_slice %arg9[%dma_start3A_170, %dma_start3A_179, %dma_start3A_180] : memref<3x32x1024xf32, #tpu.memory_space<vmem>> -> memref<1x32x1024xf32, #tpu.memory_space<vmem>>
    %dma_start3A_182 = tpu.memref_squeeze %dma_start3A_181 : memref<1x32x1024xf32, #tpu.memory_space<vmem>> -> memref<32x1024xf32, #tpu.memory_space<vmem>>
    tpu.enqueue_dma source(%dma_start3A_182 : memref<32x1024xf32, #tpu.memory_space<vmem>>) target(%dma_start3A_178 : memref<32x1024xf32, #tpu.memory_space<hbm>>) target_semaphore(%arg14 : memref<!tpu.dma_semaphore, #tpu.memory_space<semaphore_mem>>)
    %add3A_183 = arith.constant 992 : i32
    %add3A_184 = arith.addi %mul3A_2, %add3A_183 : i32
    %dma_start3A_185 = arith.constant 1 : i32
    %dma_start3A_186 = arith.constant 0 : i32
    %dma_start3A_187 = arith.constant 0 : i32
    %dma_start3A_188 = tpu.memref_slice %arg9[%dma_start3A_185, %dma_start3A_186, %dma_start3A_187] : memref<3x32x1024xf32, #tpu.memory_space<vmem>> -> memref<1x32x1024xf32, #tpu.memory_space<vmem>>
    %dma_start3A_189 = tpu.memref_squeeze %dma_start3A_188 : memref<1x32x1024xf32, #tpu.memory_space<vmem>> -> memref<32x1024xf32, #tpu.memory_space<vmem>>
    %dma_start3A_190 = arith.constant 0 : i32
    %dma_start3A_191 = tpu.memref_slice %arg5[%add3A_184, %dma_start3A_190] : memref<32768x1024xf32, #tpu.memory_space<hbm>> -> memref<32x1024xf32, #tpu.memory_space<hbm>>
    %dma_start3A_192 = arith.constant 0 : i32
    %dma_start3A_193 = tpu.memref_slice %arg5[%add3A_184, %dma_start3A_192] : memref<32768x1024xf32, #tpu.memory_space<hbm>> -> memref<32x1024xf32, #tpu.memory_space<hbm>>
    %dma_start3A_194 = arith.constant 0 : i32
    %dma_start3A_195 = arith.constant 0 : i32
    %dma_start3A_196 = tpu.memref_slice %arg9[%dma_start3A_185, %dma_start3A_194, %dma_start3A_195] : memref<3x32x1024xf32, #tpu.memory_space<vmem>> -> memref<1x32x1024xf32, #tpu.memory_space<vmem>>
    %dma_start3A_197 = tpu.memref_squeeze %dma_start3A_196 : memref<1x32x1024xf32, #tpu.memory_space<vmem>> -> memref<32x1024xf32, #tpu.memory_space<vmem>>
    tpu.enqueue_dma source(%dma_start3A_197 : memref<32x1024xf32, #tpu.memory_space<vmem>>) target(%dma_start3A_193 : memref<32x1024xf32, #tpu.memory_space<hbm>>) target_semaphore(%arg17 : memref<!tpu.dma_semaphore, #tpu.memory_space<semaphore_mem>>)
    %add3A_198 = arith.constant 928 : i32
    %add3A_199 = arith.addi %mul3A_2, %add3A_198 : i32
    %dma_wait3A_200 = arith.constant 2 : i32
    %dma_wait3A_201 = arith.constant 0 : i32
    %dma_wait3A_202 = arith.constant 0 : i32
    %dma_wait3A_203 = tpu.memref_slice %arg9[%dma_wait3A_200, %dma_wait3A_201, %dma_wait3A_202] : memref<3x32x1024xf32, #tpu.memory_space<vmem>> -> memref<1x32x1024xf32, #tpu.memory_space<vmem>>
    %dma_wait3A_204 = tpu.memref_squeeze %dma_wait3A_203 : memref<1x32x1024xf32, #tpu.memory_space<vmem>> -> memref<32x1024xf32, #tpu.memory_space<vmem>>
    %dma_wait3A_205 = arith.constant 0 : i32
    %dma_wait3A_206 = tpu.memref_slice %arg4[%add3A_199, %dma_wait3A_205] : memref<32768x1024xf32, #tpu.memory_space<hbm>> -> memref<32x1024xf32, #tpu.memory_space<hbm>>
    %dma_wait3A_207 = arith.constant 0 : i32
    %dma_wait3A_208 = tpu.memref_slice %arg4[%add3A_199, %dma_wait3A_207] : memref<32768x1024xf32, #tpu.memory_space<hbm>> -> memref<32x1024xf32, #tpu.memory_space<hbm>>
    %dma_wait3A_209 = arith.constant 0 : i32
    %dma_wait3A_210 = arith.constant 0 : i32
    %dma_wait3A_211 = tpu.memref_slice %arg9[%dma_wait3A_200, %dma_wait3A_209, %dma_wait3A_210] : memref<3x32x1024xf32, #tpu.memory_space<vmem>> -> memref<1x32x1024xf32, #tpu.memory_space<vmem>>
    %dma_wait3A_212 = tpu.memref_squeeze %dma_wait3A_211 : memref<1x32x1024xf32, #tpu.memory_space<vmem>> -> memref<32x1024xf32, #tpu.memory_space<vmem>>
    tpu.wait_dma2 semaphore(%arg15 : memref<!tpu.dma_semaphore, #tpu.memory_space<semaphore_mem>>) src(%dma_wait3A_212 : memref<32x1024xf32, #tpu.memory_space<vmem>>) dst(%dma_wait3A_208 : memref<32x1024xf32, #tpu.memory_space<hbm>>)
    %add3A_213 = arith.constant 928 : i32
    %add3A_214 = arith.addi %mul3A_2, %add3A_213 : i32
    %dma_wait3A_215 = arith.constant 2 : i32
    %dma_wait3A_216 = arith.constant 0 : i32
    %dma_wait3A_217 = arith.constant 0 : i32
    %dma_wait3A_218 = tpu.memref_slice %arg9[%dma_wait3A_215, %dma_wait3A_216, %dma_wait3A_217] : memref<3x32x1024xf32, #tpu.memory_space<vmem>> -> memref<1x32x1024xf32, #tpu.memory_space<vmem>>
    %dma_wait3A_219 = tpu.memref_squeeze %dma_wait3A_218 : memref<1x32x1024xf32, #tpu.memory_space<vmem>> -> memref<32x1024xf32, #tpu.memory_space<vmem>>
    %dma_wait3A_220 = arith.constant 0 : i32
    %dma_wait3A_221 = tpu.memref_slice %arg5[%add3A_214, %dma_wait3A_220] : memref<32768x1024xf32, #tpu.memory_space<hbm>> -> memref<32x1024xf32, #tpu.memory_space<hbm>>
    %dma_wait3A_222 = arith.constant 0 : i32
    %dma_wait3A_223 = tpu.memref_slice %arg5[%add3A_214, %dma_wait3A_222] : memref<32768x1024xf32, #tpu.memory_space<hbm>> -> memref<32x1024xf32, #tpu.memory_space<hbm>>
    %dma_wait3A_224 = arith.constant 0 : i32
    %dma_wait3A_225 = arith.constant 0 : i32
    %dma_wait3A_226 = tpu.memref_slice %arg9[%dma_wait3A_215, %dma_wait3A_224, %dma_wait3A_225] : memref<3x32x1024xf32, #tpu.memory_space<vmem>> -> memref<1x32x1024xf32, #tpu.memory_space<vmem>>
    %dma_wait3A_227 = tpu.memref_squeeze %dma_wait3A_226 : memref<1x32x1024xf32, #tpu.memory_space<vmem>> -> memref<32x1024xf32, #tpu.memory_space<vmem>>
    tpu.wait_dma2 semaphore(%arg18 : memref<!tpu.dma_semaphore, #tpu.memory_space<semaphore_mem>>) src(%dma_wait3A_227 : memref<32x1024xf32, #tpu.memory_space<vmem>>) dst(%dma_wait3A_223 : memref<32x1024xf32, #tpu.memory_space<hbm>>)
    %add3A_228 = arith.constant 960 : i32
    %add3A_229 = arith.addi %mul3A_2, %add3A_228 : i32
    %dma_wait3A_230 = arith.constant 0 : i32
    %dma_wait3A_231 = arith.constant 0 : i32
    %dma_wait3A_232 = arith.constant 0 : i32
    %dma_wait3A_233 = tpu.memref_slice %arg9[%dma_wait3A_230, %dma_wait3A_231, %dma_wait3A_232] : memref<3x32x1024xf32, #tpu.memory_space<vmem>> -> memref<1x32x1024xf32, #tpu.memory_space<vmem>>
    %dma_wait3A_234 = tpu.memref_squeeze %dma_wait3A_233 : memref<1x32x1024xf32, #tpu.memory_space<vmem>> -> memref<32x1024xf32, #tpu.memory_space<vmem>>
    %dma_wait3A_235 = arith.constant 0 : i32
    %dma_wait3A_236 = tpu.memref_slice %arg4[%add3A_229, %dma_wait3A_235] : memref<32768x1024xf32, #tpu.memory_space<hbm>> -> memref<32x1024xf32, #tpu.memory_space<hbm>>
    %dma_wait3A_237 = arith.constant 0 : i32
    %dma_wait3A_238 = tpu.memref_slice %arg4[%add3A_229, %dma_wait3A_237] : memref<32768x1024xf32, #tpu.memory_space<hbm>> -> memref<32x1024xf32, #tpu.memory_space<hbm>>
    %dma_wait3A_239 = arith.constant 0 : i32
    %dma_wait3A_240 = arith.constant 0 : i32
    %dma_wait3A_241 = tpu.memref_slice %arg9[%dma_wait3A_230, %dma_wait3A_239, %dma_wait3A_240] : memref<3x32x1024xf32, #tpu.memory_space<vmem>> -> memref<1x32x1024xf32, #tpu.memory_space<vmem>>
    %dma_wait3A_242 = tpu.memref_squeeze %dma_wait3A_241 : memref<1x32x1024xf32, #tpu.memory_space<vmem>> -> memref<32x1024xf32, #tpu.memory_space<vmem>>
    tpu.wait_dma2 semaphore(%arg13 : memref<!tpu.dma_semaphore, #tpu.memory_space<semaphore_mem>>) src(%dma_wait3A_242 : memref<32x1024xf32, #tpu.memory_space<vmem>>) dst(%dma_wait3A_238 : memref<32x1024xf32, #tpu.memory_space<hbm>>)
    %add3A_243 = arith.constant 960 : i32
    %add3A_244 = arith.addi %mul3A_2, %add3A_243 : i32
    %dma_wait3A_245 = arith.constant 0 : i32
    %dma_wait3A_246 = arith.constant 0 : i32
    %dma_wait3A_247 = arith.constant 0 : i32
    %dma_wait3A_248 = tpu.memref_slice %arg9[%dma_wait3A_245, %dma_wait3A_246, %dma_wait3A_247] : memref<3x32x1024xf32, #tpu.memory_space<vmem>> -> memref<1x32x1024xf32, #tpu.memory_space<vmem>>
    %dma_wait3A_249 = tpu.memref_squeeze %dma_wait3A_248 : memref<1x32x1024xf32, #tpu.memory_space<vmem>> -> memref<32x1024xf32, #tpu.memory_space<vmem>>
    %dma_wait3A_250 = arith.constant 0 : i32
    %dma_wait3A_251 = tpu.memref_slice %arg5[%add3A_244, %dma_wait3A_250] : memref<32768x1024xf32, #tpu.memory_space<hbm>> -> memref<32x1024xf32, #tpu.memory_space<hbm>>
    %dma_wait3A_252 = arith.constant 0 : i32
    %dma_wait3A_253 = tpu.memref_slice %arg5[%add3A_244, %dma_wait3A_252] : memref<32768x1024xf32, #tpu.memory_space<hbm>> -> memref<32x1024xf32, #tpu.memory_space<hbm>>
    %dma_wait3A_254 = arith.constant 0 : i32
    %dma_wait3A_255 = arith.constant 0 : i32
    %dma_wait3A_256 = tpu.memref_slice %arg9[%dma_wait3A_245, %dma_wait3A_254, %dma_wait3A_255] : memref<3x32x1024xf32, #tpu.memory_space<vmem>> -> memref<1x32x1024xf32, #tpu.memory_space<vmem>>
    %dma_wait3A_257 = tpu.memref_squeeze %dma_wait3A_256 : memref<1x32x1024xf32, #tpu.memory_space<vmem>> -> memref<32x1024xf32, #tpu.memory_space<vmem>>
    tpu.wait_dma2 semaphore(%arg16 : memref<!tpu.dma_semaphore, #tpu.memory_space<semaphore_mem>>) src(%dma_wait3A_257 : memref<32x1024xf32, #tpu.memory_space<vmem>>) dst(%dma_wait3A_253 : memref<32x1024xf32, #tpu.memory_space<hbm>>)
    %add3A_258 = arith.constant 992 : i32
    %add3A_259 = arith.addi %mul3A_2, %add3A_258 : i32
    %dma_wait3A_260 = arith.constant 1 : i32
    %dma_wait3A_261 = arith.constant 0 : i32
    %dma_wait3A_262 = arith.constant 0 : i32
    %dma_wait3A_263 = tpu.memref_slice %arg9[%dma_wait3A_260, %dma_wait3A_261, %dma_wait3A_262] : memref<3x32x1024xf32, #tpu.memory_space<vmem>> -> memref<1x32x1024xf32, #tpu.memory_space<vmem>>
    %dma_wait3A_264 = tpu.memref_squeeze %dma_wait3A_263 : memref<1x32x1024xf32, #tpu.memory_space<vmem>> -> memref<32x1024xf32, #tpu.memory_space<vmem>>
    %dma_wait3A_265 = arith.constant 0 : i32
    %dma_wait3A_266 = tpu.memref_slice %arg4[%add3A_259, %dma_wait3A_265] : memref<32768x1024xf32, #tpu.memory_space<hbm>> -> memref<32x1024xf32, #tpu.memory_space<hbm>>
    %dma_wait3A_267 = arith.constant 0 : i32
    %dma_wait3A_268 = tpu.memref_slice %arg4[%add3A_259, %dma_wait3A_267] : memref<32768x1024xf32, #tpu.memory_space<hbm>> -> memref<32x1024xf32, #tpu.memory_space<hbm>>
    %dma_wait3A_269 = arith.constant 0 : i32
    %dma_wait3A_270 = arith.constant 0 : i32
    %dma_wait3A_271 = tpu.memref_slice %arg9[%dma_wait3A_260, %dma_wait3A_269, %dma_wait3A_270] : memref<3x32x1024xf32, #tpu.memory_space<vmem>> -> memref<1x32x1024xf32, #tpu.memory_space<vmem>>
    %dma_wait3A_272 = tpu.memref_squeeze %dma_wait3A_271 : memref<1x32x1024xf32, #tpu.memory_space<vmem>> -> memref<32x1024xf32, #tpu.memory_space<vmem>>
    tpu.wait_dma2 semaphore(%arg14 : memref<!tpu.dma_semaphore, #tpu.memory_space<semaphore_mem>>) src(%dma_wait3A_272 : memref<32x1024xf32, #tpu.memory_space<vmem>>) dst(%dma_wait3A_268 : memref<32x1024xf32, #tpu.memory_space<hbm>>)
    %add3A_273 = arith.constant 992 : i32
    %add3A_274 = arith.addi %mul3A_2, %add3A_273 : i32
    %dma_wait3A_275 = arith.constant 1 : i32
    %dma_wait3A_276 = arith.constant 0 : i32
    %dma_wait3A_277 = arith.constant 0 : i32
    %dma_wait3A_278 = tpu.memref_slice %arg9[%dma_wait3A_275, %dma_wait3A_276, %dma_wait3A_277] : memref<3x32x1024xf32, #tpu.memory_space<vmem>> -> memref<1x32x1024xf32, #tpu.memory_space<vmem>>
    %dma_wait3A_279 = tpu.memref_squeeze %dma_wait3A_278 : memref<1x32x1024xf32, #tpu.memory_space<vmem>> -> memref<32x1024xf32, #tpu.memory_space<vmem>>
    %dma_wait3A_280 = arith.constant 0 : i32
    %dma_wait3A_281 = tpu.memref_slice %arg5[%add3A_274, %dma_wait3A_280] : memref<32768x1024xf32, #tpu.memory_space<hbm>> -> memref<32x1024xf32, #tpu.memory_space<hbm>>
    %dma_wait3A_282 = arith.constant 0 : i32
    %dma_wait3A_283 = tpu.memref_slice %arg5[%add3A_274, %dma_wait3A_282] : memref<32768x1024xf32, #tpu.memory_space<hbm>> -> memref<32x1024xf32, #tpu.memory_space<hbm>>
    %dma_wait3A_284 = arith.constant 0 : i32
    %dma_wait3A_285 = arith.constant 0 : i32
    %dma_wait3A_286 = tpu.memref_slice %arg9[%dma_wait3A_275, %dma_wait3A_284, %dma_wait3A_285] : memref<3x32x1024xf32, #tpu.memory_space<vmem>> -> memref<1x32x1024xf32, #tpu.memory_space<vmem>>
    %dma_wait3A_287 = tpu.memref_squeeze %dma_wait3A_286 : memref<1x32x1024xf32, #tpu.memory_space<vmem>> -> memref<32x1024xf32, #tpu.memory_space<vmem>>
    tpu.wait_dma2 semaphore(%arg17 : memref<!tpu.dma_semaphore, #tpu.memory_space<semaphore_mem>>) src(%dma_wait3A_287 : memref<32x1024xf32, #tpu.memory_space<vmem>>) dst(%dma_wait3A_283 : memref<32x1024xf32, #tpu.memory_space<hbm>>)
    return
  }
}

</mosaic_0001>

<sc_bundles>
// kernel: kernel.3.cloned.1.call-start
scs
__scs_entry_jumppad:
0x0: {  	(pc) =	sbr.rel $0x88, $3  }
0x1: {  	(tag) =	ssettag $0x0;
	lr =	simm.s32 $0x1  }
0x2: {  	[smem:$0x3F9F] =	sst lr;
	_ =	strace $0xD0000000  }
0x3: {  	_ = 	snop  }
0x4: {  	_ = 	snop  }
0x5: {  	_ = 	snop  }
0x6: {  	_ = 	snop  }
0x7: {  	_ = 	snop  }
__scs_overlays_trampoline_lowered:
0x8: {  	[smem:$0x3FAE] =	sst s0  }
0x9: {  	[smem:$0x3FAF] =	sst s1  }
0xa: {  	[smem:$0x3FB0] =	sst s2  }
0xb: {  	[smem:$0x3FB1] =	sst s3  }
0xc: {  	[smem:$0x3FB2] =	sst s4  }
0xd: {  	[smem:$0x3FB3] =	sst s5  }
0xe: {  	[smem:$0x3FB4] =	sst s6  }
0xf: {  	[smem:$0x3FB5] =	sst s7  }
0x10: {  	[smem:$0x3FB6] =	sst s8  }
0x11: {  	[smem:$0x3FB7] =	sst s9;
	s0 =	simm.s32 @!p0 $0x0  }
0x12: {  	s1 =	sld [smem:$0x3F9D];
	s0 =	simm.s32 @p0 $0x1  }
0x13: {  	[smem:$0x3FB8] =	sst s0;
	s0 =	simm.s32 @!p1 $0x0  }
0x14: {  	s2 =	sld [smem:$0x3F9C];
	s0 =	simm.s32 @p1 $0x1  }
0x15: {  	[smem:$0x3FB9] =	sst s0;
	s0 =	simm.s32 @!p2 $0x0  }
0x16: {  	s3 =	sld [smem:$0x3FDB];
	s0 =	simm.s32 @p2 $0x1  }
0x17: {  	s4 =	simm.s32 $0x1BF5;
	[smem:$0x3FBB] =	sst s0  }
0x18: {  	s0 =	sld [smem:$0x3F9E];
	_ =	swait.ge [sflag:s4], $0x0  }
0x19: {  	s7 =	sld [smem:$0x3F9F]  }
0x1a: {  	s8 =	sadd.s32 $0xFFFFE003, lr  }
0x1b: {  	s9 =	sadd.s32 $0xFFFFFEF7, lr;
	s5 =	simm.s32 $0xFFFFFFFF;
	p2 =	slt.u32 s8, $0xFFFFF086  }
0x1c: {  	p1 =	slt.u32 s9, $0xF7A;
	s5 =	simm.s32 @!p2 $0x0  }
0x1d: {  	s5 =	simm.s32 @p1 $0x1;
	p0 =	seq.s32 s7, s2  }
0x1e: {  	s7 =	smul.u32 @!p0 $0xF7A, s2;
	p2 =	seq.s32 @!p0 s5, $0x0  }
0x1f: {  	s9 =	smul.u32 $0xF7A, s1;
	s8 =	simm.s32 @!p0 $0x1BF5;
	p2 =	por !p2, p0  }
0x20: {  	[sflag:s8] =	ssyncset.s32 @!p0 $0xFFFFF086;
	s6 =	sadd.s32 @!p0 s3, s7;
	s7 =	simm.s32 @!p0 $0x108  }
0x21: {  	s3 =	sadd.s32 s3, s9;
	s6 =	sadd.s32 @!p0 $0x88, s6;
	s7 =	simm.s32 @p2 $0x1082  }
0x22: {  	[simem:s7], [sflag:s8] =	dma.local @!p0 [hbm:s6], $0xF7A  }
0x23: {  	s9 =	sor.u32 $0xD0000000, s2;
	s6 =	simm.s32 $0x108;
	_ =	swait.ge @!p0 [sflag:s8], $0x0  }
0x24: {  	s3 =	sadd.s32 $0x88, s3;
	s6 =	simm.s32 @!p1 $0x1082;
	[sflag:s4] =	ssyncset.s32 $0xFFFFF086  }
0x25: {  	[simem:s6], [sflag:s4] =	dma.local [hbm:s3], $0xF7A  }
0x26: {  	[smem:$0x3F9F] =	sst s1;
	(tag) =	ssettag s2;
	_ =	strace s9  }
0x27: {  	s1 =	sld [smem:$0x3FAF]  }
0x28: {  	s2 =	sld [smem:$0x3FB0]  }
0x29: {  	s4 =	sld [smem:$0x3FB2]  }
0x2a: {  	p0 =	seq.s32 s5, $0x0;
	s5 =	sld [smem:$0x3FB3]  }
0x2b: {  	s6 =	sld [smem:$0x3FB4]  }
0x2c: {  	s7 =	sld [smem:$0x3FB5]  }
0x2d: {  	s3 =	simm.s32 $0x108;
	s8 =	sld [smem:$0x3FB6]  }
0x2e: {  	s3 =	simm.s32 @!p0 $0x1082;
	s9 =	sld [smem:$0x3FB7]  }
0x2f: {  	lr =	sadd.s32 s0, s3;
	s0 =	sld [smem:$0x3FAE]  }
0x30: {  	s3 =	sld [smem:$0x3FB1]  }
0x31: {  	[smem:$0x3FBA] =	sst s10  }
0x32: {  	s10 =	sld [smem:$0x3FB8];
	_ =	sdelay $0x3  }
0x33: {  	p0 =	seq.s32 s10, $0x1;
	s10 =	sld [smem:$0x3FBA];
	_ =	sdelay $0x3  }
0x34: {  	[smem:$0x3FBA] =	sst s10  }
0x35: {  	s10 =	sld [smem:$0x3FB9];
	_ =	sdelay $0x3  }
0x36: {  	p1 =	seq.s32 s10, $0x1;
	s10 =	sld [smem:$0x3FBA];
	_ =	sdelay $0x3  }
0x37: {  	[smem:$0x3FBA] =	sst s10  }
0x38: {  	s10 =	sld [smem:$0x3FBB]  }
0x39: {  	_ = 	snop;
	(pc) =	sbr.ind lr, $3  }
0x3a: {  	_ = 	snop  }
0x3b: {  	_ = 	snop  }
0x3c: {  	p2 =	seq.s32 s10, $0x1;
	s10 =	sld [smem:$0x3FBA]  }
0x3d: {  	_ =	shalt  }
0x3e: {  	_ =	shalt  }
0x3f: {  	_ =	shalt  }
0x40: {  	_ =	shalt  }
0x41: {  	_ =	shalt  }
0x42: {  	_ =	shalt  }
0x43: {  	_ =	shalt  }
0x44: {  	_ =	shalt  }
0x45: {  	_ =	shalt  }
0x46: {  	_ =	shalt  }
0x47: {  	_ =	shalt  }
0x48: {  	_ =	shalt  }
0x49: {  	_ =	shalt  }
0x4a: {  	_ =	shalt  }
0x4b: {  	_ =	shalt  }
0x4c: {  	_ =	shalt  }
0x4d: {  	_ =	shalt  }
0x4e: {  	_ =	shalt  }
0x4f: {  	_ =	shalt  }
0x50: {  	_ =	shalt  }
0x51: {  	_ =	shalt  }
0x52: {  	_ =	shalt  }
0x53: {  	_ =	shalt  }
0x54: {  	_ =	shalt  }
0x55: {  	_ =	shalt  }
0x56: {  	_ =	shalt  }
0x57: {  	_ =	shalt  }
0x58: {  	_ =	shalt  }
0x59: {  	_ =	shalt  }
0x5a: {  	_ =	shalt  }
0x5b: {  	_ =	shalt  }
0x5c: {  	_ =	shalt  }
0x5d: {  	_ =	shalt  }
0x5e: {  	_ =	shalt  }
0x5f: {  	_ =	shalt  }
0x60: {  	_ =	shalt  }
0x61: {  	_ =	shalt  }
0x62: {  	_ =	shalt  }
0x63: {  	_ =	shalt  }
0x64: {  	_ =	shalt  }
0x65: {  	_ =	shalt  }
0x66: {  	_ =	shalt  }
0x67: {  	_ =	shalt  }
0x68: {  	_ =	shalt  }
0x69: {  	_ =	shalt  }
0x6a: {  	_ =	shalt  }
0x6b: {  	_ =	shalt  }
0x6c: {  	_ =	shalt  }
0x6d: {  	_ =	shalt  }
0x6e: {  	_ =	shalt  }
0x6f: {  	_ =	shalt  }
0x70: {  	_ =	shalt  }
0x71: {  	_ =	shalt  }
0x72: {  	_ =	shalt  }
0x73: {  	_ =	shalt  }
0x74: {  	_ =	shalt  }
0x75: {  	_ =	shalt  }
0x76: {  	_ =	shalt  }
0x77: {  	_ =	shalt  }
0x78: {  	_ =	shalt  }
0x79: {  	_ =	shalt  }
0x7a: {  	_ =	shalt  }
0x7b: {  	_ =	shalt  }
0x7c: {  	_ =	shalt  }
0x7d: {  	_ =	shalt  }
0x7e: {  	_ =	shalt  }
0x7f: {  	_ =	shalt  }
0x80: {  	_ =	shalt  }
0x81: {  	_ =	shalt  }
0x82: {  	_ =	shalt  }
0x83: {  	_ =	shalt  }
0x84: {  	_ =	shalt  }
0x85: {  	_ =	shalt  }
0x86: {  	_ =	shalt  }
0x87: {  	_ =	shalt  }
.Lfunc_end0:
.L_simem_size_0:
called_computation_lowered:
.L_overlay_start_0:
0x88: {  	s2 =	sld [smem:$0x3FD9]  }
0x89: {  	s3 =	sld [smem:$0x3FFE];
	_ =	sdelay $0x1  }
0x8a: {  	s1 =	srdreg.scid  }
0x8b: {  	s0 =	sand.u32 $0x1, s1  }
0x8c: {  	s14 =	sshll.u32 s0, $0xA;
	s2 =	sadd.s32 s3, s2  }
0x8d: {  	s2 =	sadd.s32 s2, s14  }
0x8e: {  	[smem:$0x3FC6] =	sst s2  }
0x8f: {  	_ = 	snop  }
0x90: {  	s2 =	sld [smem:$0x3FD0];
	_ =	sdelay $0x2  }
0x91: {  	s4 =	simm.s32 $0xA;
	s5 =	simm.s32 $0x10;
	s15 =	sld [smem:$0x3FC9]  }
0x92: {  	[smem:s5], [sflag:s4] =	dma.local [hbm:s2], $0x1  }
0x93: {  	_ =	swait.eq [sflag:s4], $0x1  }
0x94: {  	[sflag:s4] =	ssyncset.done $0x0  }
0x95: {  	s16 =	sld [smem:$0x10];
	[sflag:s4] =	ssyncadd.s32 $0xFFFFFFFF  }
0x96: {  	s17 =	sld [smem:$0x11];
	(tm) =	ssettm $0x1  }
0x97: {  	s18 =	sld [smem:$0x3FFB];
	_ =	sdelay $0x3  }
0x98: {  	_ =	strace s18  }
0x99: {  	s5 =	sld [smem:$0x3FFC];
	_ =	sdelay $0x3  }
0x9a: {  	_ =	strace s5  }
0x9b: {  	s5 =	sld [smem:$0x3FFD];
	_ =	sdelay $0x3  }
0x9c: {  	_ =	strace s5  }
0x9d: {  	_ =	strace $0x8FFFFFFF  }
0x9e: {  	s19 =	sld [smem:$0x3FDB];
	_ =	sdelay $0x1  }
0x9f: {  	s6 =	simm.s32 $_scs_section_size  }
0xa0: {  	s7 =	simm.s32 $_size__tile_overlayer_lowered;
	s8 =	simm.s32 $_tile_overlayer_lowered  }
0xa1: {  	s22 =	simm.s32 $0x1BFF;
	s21 =	sshll.u32 s8, $0x1;
	s5 =	sadd.s32 s6, s19  }
0xa2: {  	s9 =	simm.s32 $0x0;
	s20 =	sshll.u32 s7, $0x1;
	s7 =	sadd.s32 s21, s5  }
0xa3: {  	[timem:s9], [sflag:s22] =	dma.local [hbm:s7], s20  }
0xa4: {  	_ =	swait.ge [sflag:s22], s20  }
0xa5: {  	s6 =	ssub.s32 $0x0, s20;
	[sflag:s22] =	ssyncset.done $0x0  }
0xa6: {  	[sflag:s22] =	ssyncadd.s32 s6;
	_ =	sdelay $0x1  }
0xa7: {  	s23 =	simm.s32 $0x1B8B  }
0xa8: {  	_ =	swait.ge [sflag:s23], $0x1  }
0xa9: {  	[sflag:s23] =	ssyncset.done $0x0  }
0xaa: {  	s25 =	simm.s32 $0x1B8E;
	s24 =	sld [smem:$0x3FFE];
	[sflag:s23] =	ssyncadd.s32 $0xFFFFFFFF  }
0xab: {  	s26 =	simm.s32 $execute0_lowered;
	[smem:$0x3FD2] =	sst s25  }
0xac: {  	s7 =	sshll.u32 s26, $0x1;
	_ =	strace $0x80000046;
	[dreg:$0x1] =	wrdreg $0xFFFFFFFF  }
0xad: {  	s28 =	simm.s32 $_size_execute0_lowered;
	s5 =	sadd.s32 s5, s7;
	[dreg:$0x0] =	wrdreg $0x0  }
0xae: {  	s7 =	sshll.u32 s28, $0x1;
	[dreg:$0x2] =	wrdreg s5  }
0xaf: {  	[dreg:$0x3] =	wrdreg s7  }
0xb0: {  	[dreg:$0x4] =	wrdreg $0xC0  }
0xb1: {  	_ =	task [dreg:s9], $0x5FFFF  }
0xb2: {  	[dreg:$0x1] =	wrdreg $0xFFFFFFFF  }
0xb3: {  	[dreg:$0x0] =	wrdreg $0x60  }
0xb4: {  	[dreg:$0x2] =	wrdreg s15  }
0xb5: {  	[dreg:$0x3] =	wrdreg s24  }
0xb6: {  	[dreg:$0x4] =	wrdreg s16  }
0xb7: {  	[dreg:$0x5] =	wrdreg s17  }
0xb8: {  	[dreg:$0x6] =	wrdreg $0x9  }
0xb9: {  	_ =	task.clear_ibuf [dreg:s9], $0x7FFFF;
	_ =	strace $0x90000046  }
0xba: {  	s29 =	simm.s32 $0x9;
	_ =	strace $0x80000048  }
0xbb: {  	_ =	swait.ge [sflag:s29], $0x1  }
0xbc: {  	[sflag:s29] =	ssyncadd.s32 $0xFFFFFFFF  }
0xbd: {  	_ =	strace $0x90000048  }
0xbe: {  	_ =	sfence  }
0xbf: {  	s30 =	sld [smem:$0x0];
	_ =	sdelay $0x2  }
0xc0: {  	s31 =	sshll.u32 s1, $0xD;
	s1 =	sshrl.u32 s1, $0x2  }
0xc1: {  	s3 =	sand.u32 $0x4000, s31;
	s1 =	sadd.s32 s1, s30  }
0xc2: {  	s0 =	sor.u32 s3, s0;
	s1 =	sshll.u32 s1, $0x11  }
0xc3: {  	s0 =	sor.u32 s1, s0  }
0xc4: {  	s0 =	sadd.s32 $0x8F2B, s0  }
0xc5: {  	[sflag:s0] =	ssyncadd.remote.s32 $0x1  }
0xc6: {  	_ =	sfence.sel $0xFFFF  }
0xc7: {  	[dreg:$0x0] =	wrdreg $0xFFFFFFFF;
	(pc) =	sbr.abs _section_cstart, $3  }
0xc8: {  	[dreg:$0x1] =	wrdreg $0xFFFFFFFF  }
0xc9: {  	_ =	task.clear_ibuf [dreg:s9], $0x2FFFF;
	_ =	strace $0x9FFFFFFF  }
0xca: {  	(tm) =	ssettm $0x7FFFFFFF  }
0xcb: {  	_ =	shalt  }
tec
execute0_lowered:
.L_overlay_start_1:
0x0: {  	(tag) =	ssettag $0x1  }
0x1: {  	s1 =	rddreg [dreg:$0x0]  }
0x2: {  	s2 =	rddreg [dreg:$0x1]  }
0x3: {  	s4 =	rddreg [dreg:$0x2]  }
0x4: {  	s10 =	rddreg [dreg:$0x3]  }
0x5: {  	s0 =	srdreg.scid;
	s3 =	simm.s32 $0x0;
	s12 =	stileid.u32  }
0x6: {  	s21 =	simm.s32 $0x11400;
	s22 =	simm.s32 $0x11C00;
	s24 =	simm.s32 $0x12400  }
0x7: {  	s25 =	simm.s32 $0x12C00;
	s26 =	simm.s32 $0x13400;
	s28 =	simm.s32 $0x7C00  }
0x8: {  	s29 =	simm.s32 $0x1;
	s30 =	simm.s32 $0x10C00;
	[smem:$0x7FF] =	sst s3  }
0x9: {  	s31 =	simm.s32 $0x2;
	_ =	strace $0x80000047;
	[dreg:$0x9] =	wrdreg s21  }
0xa: {  	s6 =	sand.u32 $0x1, s0;
	s13 =	sshll.u32 s12, $0xB;
	[dreg:$0xa] =	wrdreg s22  }
0xb: {  	s7 =	sshll.u32 s12, $0x15;
	s19 =	sshll.u32 s12, $0x12;
	[dreg:$0xb] =	wrdreg s24  }
0xc: {  	s5 =	sshll.u32 s6, $0xA;
	s14 =	ssub.s32 $0x2, s6;
	[dreg:$0xc] =	wrdreg s25  }
0xd: {  	s8 =	sshll.u32 s6, $0x14;
	s12 =	sadd.s32 s19, s10;
	[dreg:$0xd] =	wrdreg s26  }
0xe: {  	s22 =	simm.s32 $0x16400;
	s24 =	simm.s32 $0x17400;
	s25 =	simm.s32 $0x17C00  }
0xf: {  	s26 =	simm.s32 $0x18400;
	s0 =	sor.u32 s5, s13;
	[dreg:$0x13] =	wrdreg s22  }
0x10: {  	s11 =	sshrl.u32 s14, $0x1;
	s7 =	sor.u32 s8, s7;
	[dreg:$0x15] =	wrdreg s24  }
0x11: {  	s13 =	sshll.u32 s6, $0x11;
	s8 =	sadd.s32 s19, s4;
	[dreg:$0x16] =	wrdreg s25  }
0x12: {  	s6 =	sadd.s32 $0x100, s1;
	[dreg:$0x17] =	wrdreg s26;
	s22 =	simm.s32 $0x5400  }
0x13: {  	s24 =	simm.s32 $0x6400;
	s25 =	simm.s32 $0x6C00;
	s26 =	simm.s32 $0x7400  }
0x14: {  	s9 =	sshrl.u32 s0, $0x3;
	s11 =	ssub.s32 s14, s11;
	s15 =	sor.u32 $0x8000, s7  }
0x15: {  	s5 =	sor.u32 $0x20, s0;
	s20 =	sadd.s32 s13, s12;
	s8 =	sadd.s32 s13, s8  }
0x16: {  	s23 =	sshll.u32 s0, $0x7;
	s21 =	sor.u32 $0x90, s0;
	s12 =	simm.s32 $0x2400  }
0x17: {  	s2 =	sadd.s32 s9, s2;
	s17 =	sshrl.u32 s15, $0x3;
	[dreg:$0x7] =	wrdreg s20  }
0x18: {  	s9 =	sor.u32 $0x30, s0;
	[dreg:$0x8] =	wrdreg s8;
	s8 =	sadd.s32 $0x300, s1  }
0x19: {  	s14 =	sor.u32 $0x1E000, s23;
	s19 =	smax.u32 s11, $0x1;
	[dreg:$0x1f] =	wrdreg s21  }
0x1a: {  	s13 =	sor.u32 $0x1F000, s23;
	s20 =	simm.s32 $0x15C00;
	[dreg:$0x1e] =	wrdreg s19  }
0x1b: {  	s23 =	simm.s32 $0x16C00;
	s11 =	simm.s32 $0x1C00;
	[dreg:$0x12] =	wrdreg s20  }
0x1c: {  	s21 =	simm.s32 $0x4C00;
	s16 =	sadd.s32 $0x800, s2;
	[dreg:$0x14] =	wrdreg s23  }
0x1d: {  	s2 =	sadd.s32 $0x1800, s2;
	s18 =	sadd.s32 s17, s10;
	[dreg:$0x18] =	wrdreg s16  }
0x1e: {  	s7 =	sadd.s32 s17, s4;
	s15 =	sadd.s32 s4, s14;
	[dreg:$0x19] =	wrdreg s2  }
0x1f: {  	s14 =	sadd.s32 s10, s14;
	s4 =	sadd.s32 s4, s13;
	[dreg:$0x5] =	wrdreg s18  }
0x20: {  	s17 =	simm.s32 $0x14C00;
	s10 =	sadd.s32 s10, s13;
	[dreg:$0x6] =	wrdreg s7  }
0x21: {  	s19 =	simm.s32 $0xC00;
	s13 =	simm.s32 $0x2C00;
	[dreg:$0x1a] =	wrdreg s15  }
0x22: {  	v0 =	vlaneseq.u32;
	s20 =	simm.s32 $0x4400;
	s23 =	simm.s32 $0x5C00;
	[dreg:$0x1b] =	wrdreg s14  }
0x23: {  	v4 =	vor.u32 s9, v0;
	s9 =	simm.s32 $0x0;
	s2 =	sor.u32 $0x10, s0;
	[dreg:$0x1c] =	wrdreg s4  }
0x24: {  	s7 =	sadd.s32 $0x200, s1;
	s15 =	simm.s32 $0x13C00;
	[dreg:$0x1d] =	wrdreg s10  }
0x25: {  	s16 =	simm.s32 $0x14400;
	[dreg:$0x10] =	wrdreg s17;
	s18 =	simm.s32 $0x15400  }
0x26: {  	s17 =	simm.s32 $0x4;
	s10 =	simm.s32 $0x1400;
	[dreg:$0xe] =	wrdreg s15  }
0x27: {  	v5 =	vimm.s32 $0x8000;
	vm0 =	vmmov $0xffff;
	v6 =	vand.u32 $0x7, v0;
	s14 =	simm.s32 $0x3400;
	s4 =	simm.s32 $0x8C00;
	[dreg:$0xf] =	wrdreg s16  }
0x28: {  	v7 =	vshrl.u32 v0, $0x3;
	v8 =	vor.u32 $0x8, v0;
	v1 =	vor.u32 s0, v0;
	s0 =	simm.s32 $0x3;
	[dreg:$0x11] =	wrdreg s18;
	s18 =	simm.s32 $0x7  }
0x29: {  	v7 =	vmul.u32 $0x8, v7;
	v3 =	vor.u32 s5, v0;
	s16 =	simm.s32 $0x3C00;
	v2 =	vor.u32 s2, v0;
	s2 =	simm.s32 $0x5;
	s15 =	simm.s32 $0x8  }
.LBB2_1:
0x2a: {  	[smem:$0x7FD] =	sst s9  }
0x2b: {  	s5 =	rddreg [dreg:$0x18];
	s9 =	simm.s32 $0x400  }
0x2c: {  	[tilespmem:s9], [sflag:$0x4] =	stream.linear.gather [hbm4b:s5+s3], $0x400, $0x38;
	[tilespmem:$0x18C00] =	vst v63  }
0x2d: {  	s5 =	rddreg [dreg:$0x19];
	s9 =	simm.s32 $0x800  }
0x2e: {  	[tilespmem:s9], [sflag:$0x7] =	stream.linear.gather [hbm4b:s5+s3], $0x400, $0x38;
	[tilespmem:$0x18C00] =	vst v63  }
0x2f: {  	_ =	swait.ge [sflag:s17], $0x400  }
0x30: {  	[sflag:s17] =	ssyncset.done $0x0  }
0x31: {  	[sflag:s17] =	ssyncadd.s32 $0xFFFFFC00  }
0x32: {  	_ =	swait.ge [sflag:s18], $0x400  }
0x33: {  	[sflag:s18] =	ssyncset.done $0x0  }
0x34: {  	[sflag:s18] =	ssyncadd.s32 $0xFFFFFC00  }
0x35: {  	v9 =	vld [tilespmem:$0x400]  }
0x36: {  	v10 =	vld [tilespmem:$0x800];
	_ =	sdelay $0x3  }
0x37: {  	v11 =	vld [tilespmem:$0x410]  }
0x38: {  	v12 =	vld [tilespmem:$0x420];
	vm1 =	vge.f32 v9, v10  }
0x39: {  	v13 =	vld [tilespmem:$0x820];
	v10 =	vsel vm1, $0x0, v5  }
0x3a: {  	v9 =	vld [tilespmem:$0x810];
	v10 =	vor.u32 v10, v1  }
0x3b: {  	v14 =	vld [tilespmem:$0x430];
	v15 =	vshll.u32 v10, $0x3  }
0x3c: {  	v16 =	vld [tilespmem:$0x830];
	v15 =	vand.u32 $0x7FFFFFC0, v15  }
0x3d: {  	v15 =	vor.u32 v6, v15  }
0x3e: {  	v17 =	vperm.xlane v15, v6  }
0x3f: {  	vm1 =	vge.f32 v11, v9  }
0x40: {  	v9 =	vsel vm1, $0x0, v5;
	vm1 =	vge.f32 v12, v13;
	v11 =	vadd.s32 v7, v17  }
0x41: {  	[tilespmem:$0x0] =	vst v10;
	v12 =	vsel vm1, $0x0, v5;
	vm1 =	vge.f32 v14, v16;
	v9 =	vor.u32 v9, v2  }
0x42: {  	[tilespmem:$0x10] =	vst v9;
	v9 =	vor.u32 v12, v3;
	v10 =	vsel vm1, $0x0, v5  }
0x43: {  	[tilespmem:$0x20] =	vst v9;
	v9 =	vor.u32 v10, v4  }
0x44: {  	[tilespmem:$0x30] =	vst v9  }
0x45: {  	[tilespmem:s19], [sflag:$0x1] =	stream.indirect_vreg.gather [hbm4b:s1+s3], $0x80, v11, vm0, $0xb8;
	[tilespmem:$0x18C00] =	vst v63  }
0x46: {  	v9 =	vperm.xlane v15, v8  }
0x47: {  	[tilespmem:s10], [sflag:$0x1] =	stream.indirect_vreg.gather [hbm4b:s6+s3], $0x80, v11, vm0, $0xb8;
	[tilespmem:$0x18C00] =	vst v63  }
0x48: {  	v9 =	vadd.s32 v7, v9  }
0x49: {  	[tilespmem:s11], [sflag:$0x1] =	stream.indirect_vreg.gather [hbm4b:s7+s3], $0x80, v11, vm0, $0xb8;
	[tilespmem:$0x18C00] =	vst v63  }
0x4a: {  	_ = 	snop  }
0x4b: {  	[tilespmem:s12], [sflag:$0x1] =	stream.indirect_vreg.gather [hbm4b:s8+s3], $0x80, v11, vm0, $0xb8;
	[tilespmem:$0x18C00] =	vst v63  }
0x4c: {  	_ = 	snop  }
0x4d: {  	[tilespmem:s13], [sflag:$0x1] =	stream.indirect_vreg.gather [hbm4b:s1+s3], $0x80, v9, vm0, $0xb8;
	[tilespmem:$0x18C00] =	vst v63  }
0x4e: {  	_ = 	snop  }
0x4f: {  	[tilespmem:s14], [sflag:$0x1] =	stream.indirect_vreg.gather [hbm4b:s6+s3], $0x80, v9, vm0, $0xb8;
	[tilespmem:$0x18C00] =	vst v63  }
0x50: {  	_ = 	snop  }
0x51: {  	[tilespmem:s16], [sflag:$0x1] =	stream.indirect_vreg.gather [hbm4b:s7+s3], $0x80, v9, vm0, $0xb8;
	[tilespmem:$0x18C00] =	vst v63  }
0x52: {  	_ = 	snop  }
0x53: {  	[tilespmem:s20], [sflag:$0x1] =	stream.indirect_vreg.gather [hbm4b:s8+s3], $0x80, v9, vm0, $0xb8;
	[tilespmem:$0x18C00] =	vst v63  }
0x54: {  	v9 =	vld [tilespmem:$0x10];
	_ =	sdelay $0x4  }
0x55: {  	v10 =	vshll.u32 v9, $0x3  }
0x56: {  	v9 =	vand.u32 $0x7, v9;
	v10 =	vand.u32 $0xFFFFFFC0, v10  }
0x57: {  	v9 =	vor.u32 v9, v10  }
0x58: {  	v10 =	vperm.xlane v9, v6;
	_ =	sdelay $0x1  }
0x59: {  	v10 =	vadd.s32 v7, v10;
	_ =	sdelay $0x4  }
0x5a: {  	[tilespmem:s21], [sflag:$0x1] =	stream.indirect_vreg.gather [hbm4b:s1+s3], $0x80, v10, vm0, $0xb8;
	[tilespmem:$0x18C00] =	vst v63  }
0x5b: {  	v9 =	vperm.xlane v9, v8  }
0x5c: {  	[tilespmem:s22], [sflag:$0x1] =	stream.indirect_vreg.gather [hbm4b:s6+s3], $0x80, v10, vm0, $0xb8;
	[tilespmem:$0x18C00] =	vst v63  }
0x5d: {  	v9 =	vadd.s32 v7, v9  }
0x5e: {  	[tilespmem:s23], [sflag:$0x1] =	stream.indirect_vreg.gather [hbm4b:s7+s3], $0x80, v10, vm0, $0xb8;
	[tilespmem:$0x18C00] =	vst v63  }
0x5f: {  	_ = 	snop  }
0x60: {  	[tilespmem:s24], [sflag:$0x1] =	stream.indirect_vreg.gather [hbm4b:s8+s3], $0x80, v10, vm0, $0xb8;
	[tilespmem:$0x18C00] =	vst v63  }
0x61: {  	_ = 	snop  }
0x62: {  	[tilespmem:s25], [sflag:$0x1] =	stream.indirect_vreg.gather [hbm4b:s1+s3], $0x80, v9, vm0, $0xb8;
	[tilespmem:$0x18C00] =	vst v63  }
0x63: {  	_ = 	snop  }
0x64: {  	[tilespmem:s26], [sflag:$0x1] =	stream.indirect_vreg.gather [hbm4b:s6+s3], $0x80, v9, vm0, $0xb8;
	[tilespmem:$0x18C00] =	vst v63  }
0x65: {  	_ = 	snop  }
0x66: {  	[tilespmem:s28], [sflag:$0x1] =	stream.indirect_vreg.gather [hbm4b:s7+s3], $0x80, v9, vm0, $0xb8;
	[tilespmem:$0x18C00] =	vst v63  }
0x67: {  	s10 =	simm.s32 $0x8400  }
0x68: {  	[tilespmem:s10], [sflag:$0x1] =	stream.indirect_vreg.gather [hbm4b:s8+s3], $0x80, v9, vm0, $0xb8;
	[tilespmem:$0x18C00] =	vst v63  }
0x69: {  	v9 =	vld [tilespmem:$0x20];
	_ =	sdelay $0x4  }
0x6a: {  	v10 =	vshll.u32 v9, $0x3  }
0x6b: {  	v9 =	vand.u32 $0x7, v9;
	v10 =	vand.u32 $0xFFFFFFC0, v10  }
0x6c: {  	v9 =	vor.u32 v9, v10  }
0x6d: {  	v10 =	vperm.xlane v9, v6;
	_ =	sdelay $0x1  }
0x6e: {  	v10 =	vadd.s32 v7, v10;
	_ =	sdelay $0x4  }
0x6f: {  	[tilespmem:s4], [sflag:$0x2] =	stream.indirect_vreg.gather [hbm4b:s1+s3], $0x80, v10, vm0, $0xb8;
	[tilespmem:$0x18C00] =	vst v63  }
0x70: {  	s11 =	simm.s32 $0x9400;
	v9 =	vperm.xlane v9, v8  }
0x71: {  	[tilespmem:s11], [sflag:$0x2] =	stream.indirect_vreg.gather [hbm4b:s6+s3], $0x80, v10, vm0, $0xb8;
	[tilespmem:$0x18C00] =	vst v63  }
0x72: {  	s12 =	simm.s32 $0x9C00;
	v9 =	vadd.s32 v7, v9  }
0x73: {  	[tilespmem:s12], [sflag:$0x2] =	stream.indirect_vreg.gather [hbm4b:s7+s3], $0x80, v10, vm0, $0xb8;
	[tilespmem:$0x18C00] =	vst v63  }
0x74: {  	s13 =	simm.s32 $0xA400  }
0x75: {  	[tilespmem:s13], [sflag:$0x2] =	stream.indirect_vreg.gather [hbm4b:s8+s3], $0x80, v10, vm0, $0xb8;
	[tilespmem:$0x18C00] =	vst v63  }
0x76: {  	s14 =	simm.s32 $0xAC00  }
0x77: {  	[tilespmem:s14], [sflag:$0x2] =	stream.indirect_vreg.gather [hbm4b:s1+s3], $0x80, v9, vm0, $0xb8;
	[tilespmem:$0x18C00] =	vst v63  }
0x78: {  	s16 =	simm.s32 $0xB400  }
0x79: {  	[tilespmem:s16], [sflag:$0x2] =	stream.indirect_vreg.gather [hbm4b:s6+s3], $0x80, v9, vm0, $0xb8;
	[tilespmem:$0x18C00] =	vst v63  }
0x7a: {  	s20 =	simm.s32 $0xBC00  }
0x7b: {  	[tilespmem:s20], [sflag:$0x2] =	stream.indirect_vreg.gather [hbm4b:s7+s3], $0x80, v9, vm0, $0xb8;
	[tilespmem:$0x18C00] =	vst v63  }
0x7c: {  	s21 =	simm.s32 $0xC400  }
0x7d: {  	[tilespmem:s21], [sflag:$0x2] =	stream.indirect_vreg.gather [hbm4b:s8+s3], $0x80, v9, vm0, $0xb8;
	[tilespmem:$0x18C00] =	vst v63  }
0x7e: {  	v9 =	vld [tilespmem:$0x30];
	_ =	sdelay $0x4  }
0x7f: {  	v10 =	vshll.u32 v9, $0x3  }
0x80: {  	v9 =	vand.u32 $0x7, v9;
	v10 =	vand.u32 $0xFFFFFFC0, v10  }
0x81: {  	v9 =	vor.u32 v9, v10  }
0x82: {  	v10 =	vperm.xlane v9, v6;
	_ =	sdelay $0x1  }
0x83: {  	v10 =	vadd.s32 v7, v10;
	_ =	sdelay $0x3  }
0x84: {  	s22 =	simm.s32 $0xCC00  }
0x85: {  	[tilespmem:s22], [sflag:$0x2] =	stream.indirect_vreg.gather [hbm4b:s1+s3], $0x80, v10, vm0, $0xb8;
	[tilespmem:$0x18C00] =	vst v63  }
0x86: {  	s23 =	simm.s32 $0xD400;
	v9 =	vperm.xlane v9, v8  }
0x87: {  	[tilespmem:s23], [sflag:$0x2] =	stream.indirect_vreg.gather [hbm4b:s6+s3], $0x80, v10, vm0, $0xb8;
	[tilespmem:$0x18C00] =	vst v63  }
0x88: {  	s24 =	simm.s32 $0xDC00;
	v9 =	vadd.s32 v7, v9  }
0x89: {  	[tilespmem:s24], [sflag:$0x2] =	stream.indirect_vreg.gather [hbm4b:s7+s3], $0x80, v10, vm0, $0xb8;
	[tilespmem:$0x18C00] =	vst v63  }
0x8a: {  	s5 =	simm.s32 $0x850;
	s9 =	simm.s32 $0x450;
	s25 =	simm.s32 $0xE400  }
0x8b: {  	[tilespmem:s25], [sflag:$0x2] =	stream.indirect_vreg.gather [hbm4b:s8+s3], $0x80, v10, vm0, $0xb8;
	[tilespmem:$0x18C00] =	vst v63  }
0x8c: {  	s26 =	simm.s32 $0xEC00;
	s28 =	simm.s32 $0xF400;
	s10 =	rddreg [dreg:$0x1f]  }
0x8d: {  	[tilespmem:s26], [sflag:$0x2] =	stream.indirect_vreg.gather [hbm4b:s1+s3], $0x80, v9, vm0, $0xb8;
	[tilespmem:$0x18C00] =	vst v63  }
0x8e: {  	s11 =	simm.s32 $0x0;
	s16 =	simm.s32 $0x90;
	s20 =	simm.s32 $0x6400  }
0x8f: {  	[tilespmem:s28], [sflag:$0x2] =	stream.indirect_vreg.gather [hbm4b:s6+s3], $0x80, v9, vm0, $0xb8;
	[tilespmem:$0x18C00] =	vst v63  }
0x90: {  	s21 =	simm.s32 $0x7400;
	s22 =	simm.s32 $0x10400;
	s25 =	simm.s32 $0xFC00  }
0x91: {  	[tilespmem:s25], [sflag:$0x2] =	stream.indirect_vreg.gather [hbm4b:s7+s3], $0x80, v9, vm0, $0xb8;
	[tilespmem:$0x18C00] =	vst v63  }
0x92: {  	s23 =	simm.s32 $0x2C00;
	s24 =	simm.s32 $0x3400;
	s26 =	simm.s32 $0x5C00  }
0x93: {  	[tilespmem:s22], [sflag:$0x2] =	stream.indirect_vreg.gather [hbm4b:s8+s3], $0x80, v9, vm0, $0xb8;
	[tilespmem:$0x18C00] =	vst v63  }
.LBB2_2:
0x94: {  	_ =	swait.ge [sflag:s29], $0x8000  }
0x95: {  	s12 =	rddreg [dreg:$0x8];
	[sflag:s29] =	ssyncset.done $0x0  }
0x96: {  	[sflag:s29] =	ssyncadd.s32 $0xFFFF8000;
	s12 =	sadd.s32 s11, s12  }
0x97: {  	[hbm4b:s12+s3] =	stream.linear.scatter [tilespmem:s19], [sflag:$0x4], $0x8000, $0x38;
	[tilespmem:$0x18C00] =	vst v63  }
0x98: {  	v9 =	vld [tilespmem:s9+$0xFFFFFFF0]  }
0x99: {  	v10 =	vld [tilespmem:s5+$0xFFFFFFF0];
	_ =	sdelay $0x4  }
0x9a: {  	vm1 =	vge.f32 v9, v10  }
0x9b: {  	s13 =	sadd.s32 $0xFFFFFFB0, s10;
	v9 =	vsel vm1, $0x0, v5  }
0x9c: {  	v9 =	vadd.s32 s13, v9  }
0x9d: {  	v9 =	vadd.s32 v0, v9  }
0x9e: {  	[tilespmem:s16+$0xFFFFFFB0] =	vst v9  }
0x9f: {  	v10 =	vld [tilespmem:s9+$0x0]  }
0xa0: {  	v11 =	vld [tilespmem:s5+$0x0];
	_ =	sdelay $0x4  }
0xa1: {  	vm1 =	vge.f32 v10, v11  }
0xa2: {  	s14 =	sadd.s32 $0xFFFFFFC0, s10;
	v9 =	vshll.u32 v9, $0x3;
	v10 =	vsel vm1, $0x0, v5  }
0xa3: {  	v9 =	vand.u32 $0xFFFFFFC0, v9;
	v10 =	vadd.s32 s14, v10  }
0xa4: {  	p0 =	seq.s32 s11, $0x0;
	v9 =	vor.u32 v6, v9;
	v10 =	vadd.s32 v0, v10  }
0xa5: {  	s13 =	simm.s32 @!p0 $0x6;
	[tilespmem:s16+$0xFFFFFFC0] =	vst v10;
	v10 =	vperm.xlane v9, v6  }
0xa6: {  	_ =	swait.ge @!p0 [sflag:s13], $0x8000  }
0xa7: {  	[sflag:s13] =	ssyncset.done @!p0 $0x0;
	v10 =	vadd.s32 v7, v10  }
0xa8: {  	[sflag:s13] =	ssyncadd.s32 @!p0 $0xFFFF8000;
	s13 =	simm.s32 @!p0 $0x9  }
0xa9: {  	_ =	swait.ge @!p0 [sflag:s13], $0x8000  }
0xaa: {  	[sflag:s13] =	ssyncset.done @!p0 $0x0  }
0xab: {  	[sflag:s13] =	ssyncadd.s32 @!p0 $0xFFFF8000  }
0xac: {  	[tilespmem:s30], [sflag:$0x3] =	stream.indirect_vreg.gather [hbm4b:s1+s3], $0x80, v10, vm0, $0xb8;
	[tilespmem:$0x18C00] =	vst v63  }
0xad: {  	v9 =	vperm.xlane v9, v8;
	s28 =	rddreg [dreg:$0x9]  }
0xae: {  	[tilespmem:s28], [sflag:$0x3] =	stream.indirect_vreg.gather [hbm4b:s6+s3], $0x80, v10, vm0, $0xb8;
	[tilespmem:$0x18C00] =	vst v63  }
0xaf: {  	v9 =	vadd.s32 v7, v9;
	s14 =	rddreg [dreg:$0xa]  }
0xb0: {  	[tilespmem:s14], [sflag:$0x3] =	stream.indirect_vreg.gather [hbm4b:s7+s3], $0x80, v10, vm0, $0xb8;
	[tilespmem:$0x18C00] =	vst v63  }
0xb1: {  	s28 =	rddreg [dreg:$0xb]  }
0xb2: {  	[tilespmem:s28], [sflag:$0x3] =	stream.indirect_vreg.gather [hbm4b:s8+s3], $0x80, v10, vm0, $0xb8;
	[tilespmem:$0x18C00] =	vst v63  }
0xb3: {  	s14 =	rddreg [dreg:$0xc]  }
0xb4: {  	[tilespmem:s14], [sflag:$0x3] =	stream.indirect_vreg.gather [hbm4b:s1+s3], $0x80, v9, vm0, $0xb8;
	[tilespmem:$0x18C00] =	vst v63  }
0xb5: {  	s28 =	rddreg [dreg:$0xd]  }
0xb6: {  	[tilespmem:s28], [sflag:$0x3] =	stream.indirect_vreg.gather [hbm4b:s6+s3], $0x80, v9, vm0, $0xb8;
	[tilespmem:$0x18C00] =	vst v63  }
0xb7: {  	s14 =	rddreg [dreg:$0xe]  }
0xb8: {  	[tilespmem:s14], [sflag:$0x3] =	stream.indirect_vreg.gather [hbm4b:s7+s3], $0x80, v9, vm0, $0xb8;
	[tilespmem:$0x18C00] =	vst v63  }
0xb9: {  	s28 =	rddreg [dreg:$0xf]  }
0xba: {  	[tilespmem:s28], [sflag:$0x3] =	stream.indirect_vreg.gather [hbm4b:s8+s3], $0x80, v9, vm0, $0xb8;
	[tilespmem:$0x18C00] =	vst v63  }
0xbb: {  	v9 =	vld [tilespmem:s16+$0xFFFFFFC0];
	_ =	sdelay $0x4  }
0xbc: {  	v10 =	vshll.u32 v9, $0x3  }
0xbd: {  	v9 =	vand.u32 $0x7, v9;
	v10 =	vand.u32 $0xFFFFFFC0, v10  }
0xbe: {  	v9 =	vor.u32 v9, v10  }
0xbf: {  	v10 =	vperm.xlane v9, v6;
	_ =	sdelay $0x1  }
0xc0: {  	v10 =	vadd.s32 v7, v10;
	_ =	sdelay $0x2  }
0xc1: {  	s14 =	rddreg [dreg:$0x11]  }
0xc2: {  	s28 =	rddreg [dreg:$0x10]  }
0xc3: {  	[tilespmem:s28], [sflag:$0x3] =	stream.indirect_vreg.gather [hbm4b:s1+s3], $0x80, v10, vm0, $0xb8;
	[tilespmem:$0x18C00] =	vst v63  }
0xc4: {  	v9 =	vperm.xlane v9, v8;
	s28 =	rddreg [dreg:$0x12]  }
0xc5: {  	[tilespmem:s14], [sflag:$0x3] =	stream.indirect_vreg.gather [hbm4b:s6+s3], $0x80, v10, vm0, $0xb8;
	[tilespmem:$0x18C00] =	vst v63  }
0xc6: {  	v9 =	vadd.s32 v7, v9;
	s14 =	rddreg [dreg:$0x13]  }
0xc7: {  	[tilespmem:s28], [sflag:$0x3] =	stream.indirect_vreg.gather [hbm4b:s7+s3], $0x80, v10, vm0, $0xb8;
	[tilespmem:$0x18C00] =	vst v63  }
0xc8: {  	s28 =	rddreg [dreg:$0x14]  }
0xc9: {  	[tilespmem:s14], [sflag:$0x3] =	stream.indirect_vreg.gather [hbm4b:s8+s3], $0x80, v10, vm0, $0xb8;
	[tilespmem:$0x18C00] =	vst v63  }
0xca: {  	s14 =	rddreg [dreg:$0x15]  }
0xcb: {  	[tilespmem:s28], [sflag:$0x3] =	stream.indirect_vreg.gather [hbm4b:s1+s3], $0x80, v9, vm0, $0xb8;
	[tilespmem:$0x18C00] =	vst v63  }
0xcc: {  	s28 =	rddreg [dreg:$0x16]  }
0xcd: {  	[tilespmem:s14], [sflag:$0x3] =	stream.indirect_vreg.gather [hbm4b:s6+s3], $0x80, v9, vm0, $0xb8;
	[tilespmem:$0x18C00] =	vst v63  }
0xce: {  	s14 =	rddreg [dreg:$0x17]  }
0xcf: {  	[tilespmem:s28], [sflag:$0x3] =	stream.indirect_vreg.gather [hbm4b:s7+s3], $0x80, v9, vm0, $0xb8;
	[tilespmem:$0x18C00] =	vst v63  }
0xd0: {  	s28 =	rddreg [dreg:$0x7]  }
0xd1: {  	[tilespmem:s14], [sflag:$0x3] =	stream.indirect_vreg.gather [hbm4b:s8+s3], $0x80, v9, vm0, $0xb8;
	[tilespmem:$0x18C00] =	vst v63  }
0xd2: {  	s13 =	sadd.s32 s11, s28  }
0xd3: {  	[hbm4b:s13+s3] =	stream.linear.scatter [tilespmem:s19], [sflag:$0x7], $0x8000, $0x38;
	[tilespmem:$0x18C00] =	vst v63  }
0xd4: {  	_ =	swait.ge [sflag:s31], $0x8000  }
0xd5: {  	s28 =	rddreg [dreg:$0x6];
	[sflag:s31] =	ssyncset.done $0x0  }
0xd6: {  	[sflag:s31] =	ssyncadd.s32 $0xFFFF8000;
	s14 =	sadd.s32 s11, s28  }
0xd7: {  	[hbm4b:s14+s3] =	stream.linear.scatter [tilespmem:s4], [sflag:$0x5], $0x8000, $0x38;
	[tilespmem:$0x18C00] =	vst v63  }
0xd8: {  	v9 =	vld [tilespmem:s9+$0x10]  }
0xd9: {  	v10 =	vld [tilespmem:s5+$0x10];
	_ =	sdelay $0x4  }
0xda: {  	vm1 =	vge.f32 v9, v10  }
0xdb: {  	s28 =	sadd.s32 $0xFFFFFFD0, s10;
	v9 =	vsel vm1, $0x0, v5  }
0xdc: {  	v9 =	vadd.s32 s28, v9  }
0xdd: {  	v9 =	vadd.s32 v0, v9  }
0xde: {  	[tilespmem:s16+$0xFFFFFFD0] =	vst v9  }
0xdf: {  	v10 =	vld [tilespmem:s9+$0x20]  }
0xe0: {  	v11 =	vld [tilespmem:s5+$0x20];
	_ =	sdelay $0x4  }
0xe1: {  	vm1 =	vge.f32 v10, v11  }
0xe2: {  	s28 =	sadd.s32 $0xFFFFFFE0, s10;
	v9 =	vshll.u32 v9, $0x3;
	v10 =	vsel vm1, $0x0, v5  }
0xe3: {  	v9 =	vand.u32 $0xFFFFFFC0, v9;
	v10 =	vadd.s32 s28, v10  }
0xe4: {  	v9 =	vor.u32 v6, v9;
	v10 =	vadd.s32 v0, v10  }
0xe5: {  	[tilespmem:s16+$0xFFFFFFE0] =	vst v10;
	v10 =	vperm.xlane v9, v6  }
0xe6: {  	_ =	swait.ge [sflag:s17], $0x8000  }
0xe7: {  	[sflag:s17] =	ssyncset.done $0x0;
	v10 =	vadd.s32 v7, v10  }
0xe8: {  	[sflag:s17] =	ssyncadd.s32 $0xFFFF8000  }
0xe9: {  	_ =	swait.ge [sflag:s18], $0x8000  }
0xea: {  	[sflag:s18] =	ssyncset.done $0x0  }
0xeb: {  	[sflag:s18] =	ssyncadd.s32 $0xFFFF8000  }
0xec: {  	[tilespmem:s19], [sflag:$0x1] =	stream.indirect_vreg.gather [hbm4b:s1+s3], $0x80, v10, vm0, $0xb8;
	[tilespmem:$0x18C00] =	vst v63  }
0xed: {  	s28 =	simm.s32 $0x1400;
	v9 =	vperm.xlane v9, v8  }
0xee: {  	[tilespmem:s28], [sflag:$0x1] =	stream.indirect_vreg.gather [hbm4b:s6+s3], $0x80, v10, vm0, $0xb8;
	[tilespmem:$0x18C00] =	vst v63  }
0xef: {  	v9 =	vadd.s32 v7, v9;
	s28 =	simm.s32 $0x1C00  }
0xf0: {  	[tilespmem:s28], [sflag:$0x1] =	stream.indirect_vreg.gather [hbm4b:s7+s3], $0x80, v10, vm0, $0xb8;
	[tilespmem:$0x18C00] =	vst v63  }
0xf1: {  	s28 =	simm.s32 $0x2400  }
0xf2: {  	[tilespmem:s28], [sflag:$0x1] =	stream.indirect_vreg.gather [hbm4b:s8+s3], $0x80, v10, vm0, $0xb8;
	[tilespmem:$0x18C00] =	vst v63  }
0xf3: {  	_ = 	snop  }
0xf4: {  	[tilespmem:s23], [sflag:$0x1] =	stream.indirect_vreg.gather [hbm4b:s1+s3], $0x80, v9, vm0, $0xb8;
	[tilespmem:$0x18C00] =	vst v63  }
0xf5: {  	_ = 	snop  }
0xf6: {  	[tilespmem:s24], [sflag:$0x1] =	stream.indirect_vreg.gather [hbm4b:s6+s3], $0x80, v9, vm0, $0xb8;
	[tilespmem:$0x18C00] =	vst v63  }
0xf7: {  	s28 =	simm.s32 $0x3C00  }
0xf8: {  	[tilespmem:s28], [sflag:$0x1] =	stream.indirect_vreg.gather [hbm4b:s7+s3], $0x80, v9, vm0, $0xb8;
	[tilespmem:$0x18C00] =	vst v63  }
0xf9: {  	s28 =	simm.s32 $0x4400  }
0xfa: {  	[tilespmem:s28], [sflag:$0x1] =	stream.indirect_vreg.gather [hbm4b:s8+s3], $0x80, v9, vm0, $0xb8;
	[tilespmem:$0x18C00] =	vst v63  }
0xfb: {  	v9 =	vld [tilespmem:s16+$0xFFFFFFE0];
	_ =	sdelay $0x4  }
0xfc: {  	v10 =	vshll.u32 v9, $0x3  }
0xfd: {  	v9 =	vand.u32 $0x7, v9;
	v10 =	vand.u32 $0xFFFFFFC0, v10  }
0xfe: {  	v9 =	vor.u32 v9, v10  }
0xff: {  	v10 =	vperm.xlane v9, v6;
	_ =	sdelay $0x1  }
0x100: {  	v10 =	vadd.s32 v7, v10;
	_ =	sdelay $0x3  }
0x101: {  	s28 =	simm.s32 $0x4C00  }
0x102: {  	[tilespmem:s28], [sflag:$0x1] =	stream.indirect_vreg.gather [hbm4b:s1+s3], $0x80, v10, vm0, $0xb8;
	[tilespmem:$0x18C00] =	vst v63  }
0x103: {  	v9 =	vperm.xlane v9, v8;
	s28 =	simm.s32 $0x5400  }
0x104: {  	[tilespmem:s28], [sflag:$0x1] =	stream.indirect_vreg.gather [hbm4b:s6+s3], $0x80, v10, vm0, $0xb8;
	[tilespmem:$0x18C00] =	vst v63  }
0x105: {  	v9 =	vadd.s32 v7, v9  }
0x106: {  	[tilespmem:s26], [sflag:$0x1] =	stream.indirect_vreg.gather [hbm4b:s7+s3], $0x80, v10, vm0, $0xb8;
	[tilespmem:$0x18C00] =	vst v63  }
0x107: {  	_ = 	snop  }
0x108: {  	[tilespmem:s20], [sflag:$0x1] =	stream.indirect_vreg.gather [hbm4b:s8+s3], $0x80, v10, vm0, $0xb8;
	[tilespmem:$0x18C00] =	vst v63  }
0x109: {  	s28 =	simm.s32 $0x6C00  }
0x10a: {  	[tilespmem:s28], [sflag:$0x1] =	stream.indirect_vreg.gather [hbm4b:s1+s3], $0x80, v9, vm0, $0xb8;
	[tilespmem:$0x18C00] =	vst v63  }
0x10b: {  	_ = 	snop  }
0x10c: {  	[tilespmem:s21], [sflag:$0x1] =	stream.indirect_vreg.gather [hbm4b:s6+s3], $0x80, v9, vm0, $0xb8;
	[tilespmem:$0x18C00] =	vst v63  }
0x10d: {  	s28 =	simm.s32 $0x7C00  }
0x10e: {  	[tilespmem:s28], [sflag:$0x1] =	stream.indirect_vreg.gather [hbm4b:s7+s3], $0x80, v9, vm0, $0xb8;
	[tilespmem:$0x18C00] =	vst v63  }
0x10f: {  	s14 =	rddreg [dreg:$0x5];
	s28 =	simm.s32 $0x8400  }
0x110: {  	[tilespmem:s28], [sflag:$0x1] =	stream.indirect_vreg.gather [hbm4b:s8+s3], $0x80, v9, vm0, $0xb8;
	[tilespmem:$0x18C00] =	vst v63  }
0x111: {  	s14 =	sadd.s32 s11, s14  }
0x112: {  	[hbm4b:s14+s3] =	stream.linear.scatter [tilespmem:s4], [sflag:$0x8], $0x8000, $0x38;
	[tilespmem:$0x18C00] =	vst v63  }
0x113: {  	_ =	swait.ge [sflag:s0], $0x8000  }
0x114: {  	[sflag:s0] =	ssyncset.done $0x0  }
0x115: {  	s12 =	sadd.s32 $0x2000, s12;
	[sflag:s0] =	ssyncadd.s32 $0xFFFF8000  }
0x116: {  	[hbm4b:s12+s3] =	stream.linear.scatter [tilespmem:s30], [sflag:$0x6], $0x8000, $0x38;
	[tilespmem:$0x18C00] =	vst v63  }
0x117: {  	v9 =	vld [tilespmem:s9+$0x30]  }
0x118: {  	v10 =	vld [tilespmem:s5+$0x30];
	_ =	sdelay $0x4  }
0x119: {  	vm1 =	vge.f32 v9, v10  }
0x11a: {  	s28 =	sadd.s32 $0xFFFFFFF0, s10;
	v9 =	vsel vm1, $0x0, v5  }
0x11b: {  	v9 =	vadd.s32 s28, v9  }
0x11c: {  	v9 =	vadd.s32 v0, v9  }
0x11d: {  	[tilespmem:s16+$0xFFFFFFF0] =	vst v9  }
0x11e: {  	v10 =	vld [tilespmem:s9+$0x40]  }
0x11f: {  	v11 =	vld [tilespmem:s5+$0x40];
	_ =	sdelay $0x4  }
0x120: {  	vm1 =	vge.f32 v10, v11  }
0x121: {  	v9 =	vshll.u32 v9, $0x3;
	v10 =	vsel vm1, $0x0, v5  }
0x122: {  	v9 =	vand.u32 $0xFFFFFFC0, v9;
	v10 =	vadd.s32 s10, v10  }
0x123: {  	v9 =	vor.u32 v6, v9;
	v10 =	vadd.s32 v0, v10  }
0x124: {  	[tilespmem:s16+$0x0] =	vst v10;
	v10 =	vperm.xlane v9, v6  }
0x125: {  	_ =	swait.ge [sflag:s2], $0x8000  }
0x126: {  	[sflag:s2] =	ssyncset.done $0x0;
	v10 =	vadd.s32 v7, v10  }
0x127: {  	[sflag:s2] =	ssyncadd.s32 $0xFFFF8000  }
0x128: {  	_ =	swait.ge [sflag:s15], $0x8000  }
0x129: {  	[sflag:s15] =	ssyncset.done $0x0  }
0x12a: {  	[sflag:s15] =	ssyncadd.s32 $0xFFFF8000  }
0x12b: {  	[tilespmem:s4], [sflag:$0x2] =	stream.indirect_vreg.gather [hbm4b:s1+s3], $0x80, v10, vm0, $0xb8;
	[tilespmem:$0x18C00] =	vst v63  }
0x12c: {  	s14 =	simm.s32 $0x9400;
	v9 =	vperm.xlane v9, v8  }
0x12d: {  	[tilespmem:s14], [sflag:$0x2] =	stream.indirect_vreg.gather [hbm4b:s6+s3], $0x80, v10, vm0, $0xb8;
	[tilespmem:$0x18C00] =	vst v63  }
0x12e: {  	s28 =	simm.s32 $0x9C00;
	v9 =	vadd.s32 v7, v9  }
0x12f: {  	[tilespmem:s28], [sflag:$0x2] =	stream.indirect_vreg.gather [hbm4b:s7+s3], $0x80, v10, vm0, $0xb8;
	[tilespmem:$0x18C00] =	vst v63  }
0x130: {  	s14 =	simm.s32 $0xA400  }
0x131: {  	[tilespmem:s14], [sflag:$0x2] =	stream.indirect_vreg.gather [hbm4b:s8+s3], $0x80, v10, vm0, $0xb8;
	[tilespmem:$0x18C00] =	vst v63  }
0x132: {  	s28 =	simm.s32 $0xAC00  }
0x133: {  	[tilespmem:s28], [sflag:$0x2] =	stream.indirect_vreg.gather [hbm4b:s1+s3], $0x80, v9, vm0, $0xb8;
	[tilespmem:$0x18C00] =	vst v63  }
0x134: {  	s14 =	simm.s32 $0xB400  }
0x135: {  	[tilespmem:s14], [sflag:$0x2] =	stream.indirect_vreg.gather [hbm4b:s6+s3], $0x80, v9, vm0, $0xb8;
	[tilespmem:$0x18C00] =	vst v63  }
0x136: {  	s28 =	simm.s32 $0xBC00  }
0x137: {  	[tilespmem:s28], [sflag:$0x2] =	stream.indirect_vreg.gather [hbm4b:s7+s3], $0x80, v9, vm0, $0xb8;
	[tilespmem:$0x18C00] =	vst v63  }
0x138: {  	s14 =	simm.s32 $0xC400  }
0x139: {  	[tilespmem:s14], [sflag:$0x2] =	stream.indirect_vreg.gather [hbm4b:s8+s3], $0x80, v9, vm0, $0xb8;
	[tilespmem:$0x18C00] =	vst v63  }
0x13a: {  	v9 =	vld [tilespmem:s16+$0x0];
	_ =	sdelay $0x4  }
0x13b: {  	v10 =	vshll.u32 v9, $0x3  }
0x13c: {  	v9 =	vand.u32 $0x7, v9;
	v10 =	vand.u32 $0xFFFFFFC0, v10  }
0x13d: {  	v9 =	vor.u32 v9, v10  }
0x13e: {  	v10 =	vperm.xlane v9, v6;
	_ =	sdelay $0x1  }
0x13f: {  	v10 =	vadd.s32 v7, v10;
	_ =	sdelay $0x3  }
0x140: {  	s28 =	simm.s32 $0xCC00  }
0x141: {  	[tilespmem:s28], [sflag:$0x2] =	stream.indirect_vreg.gather [hbm4b:s1+s3], $0x80, v10, vm0, $0xb8;
	[tilespmem:$0x18C00] =	vst v63  }
0x142: {  	s14 =	simm.s32 $0xD400;
	v9 =	vperm.xlane v9, v8  }
0x143: {  	[tilespmem:s14], [sflag:$0x2] =	stream.indirect_vreg.gather [hbm4b:s6+s3], $0x80, v10, vm0, $0xb8;
	[tilespmem:$0x18C00] =	vst v63  }
0x144: {  	v9 =	vadd.s32 v7, v9;
	s28 =	simm.s32 $0xDC00  }
0x145: {  	[tilespmem:s28], [sflag:$0x2] =	stream.indirect_vreg.gather [hbm4b:s7+s3], $0x80, v10, vm0, $0xb8;
	[tilespmem:$0x18C00] =	vst v63  }
0x146: {  	s14 =	simm.s32 $0xE400  }
0x147: {  	[tilespmem:s14], [sflag:$0x2] =	stream.indirect_vreg.gather [hbm4b:s8+s3], $0x80, v10, vm0, $0xb8;
	[tilespmem:$0x18C00] =	vst v63  }
0x148: {  	s28 =	simm.s32 $0xEC00  }
0x149: {  	[tilespmem:s28], [sflag:$0x2] =	stream.indirect_vreg.gather [hbm4b:s1+s3], $0x80, v9, vm0, $0xb8;
	[tilespmem:$0x18C00] =	vst v63  }
0x14a: {  	s11 =	sadd.s32 $0x3000, s11;
	s14 =	simm.s32 $0xF400  }
0x14b: {  	[tilespmem:s14], [sflag:$0x2] =	stream.indirect_vreg.gather [hbm4b:s6+s3], $0x80, v9, vm0, $0xb8;
	[tilespmem:$0x18C00] =	vst v63  }
0x14c: {  	p0 =	sne.s32 s11, $0x1E000  }
0x14d: {  	[tilespmem:s25], [sflag:$0x2] =	stream.indirect_vreg.gather [hbm4b:s7+s3], $0x80, v9, vm0, $0xb8;
	[tilespmem:$0x18C00] =	vst v63  }
.Ltmp0:
0x14e: {  	_ = 	snop;
	(pc) =	sbr.rel @p0 .LBB2_2-.Ltmp0, $4  }
0x14f: {  	s5 =	sadd.s32 $0x60, s5;
	s9 =	sadd.s32 $0x60, s9  }
0x150: {  	[tilespmem:s22], [sflag:$0x2] =	stream.indirect_vreg.gather [hbm4b:s8+s3], $0x80, v9, vm0, $0xb8;
	[tilespmem:$0x18C00] =	vst v63  }
0x151: {  	s10 =	sadd.s32 $0x60, s10;
	s16 =	sadd.s32 $0x60, s16;
	s28 =	sadd.s32 $0x2000, s13  }
0x152: {  	[hbm4b:s28+s3] =	stream.linear.scatter [tilespmem:s30], [sflag:$0x9], $0x8000, $0x38;
	[tilespmem:$0x18C00] =	vst v63  }
0x153: {  	_ =	swait.ge [sflag:s29], $0x8000  }
0x154: {  	[sflag:s29] =	ssyncset.done $0x0  }
0x155: {  	s5 =	rddreg [dreg:$0x1a];
	[sflag:s29] =	ssyncadd.s32 $0xFFFF8000  }
0x156: {  	[hbm4b:s5+s3] =	stream.linear.scatter [tilespmem:s19], [sflag:$0x4], $0x8000, $0x38;
	[tilespmem:$0x18C00] =	vst v63  }
0x157: {  	s21 =	rddreg [dreg:$0x1b]  }
0x158: {  	[hbm4b:s21+s3] =	stream.linear.scatter [tilespmem:s19], [sflag:$0x7], $0x8000, $0x38;
	[tilespmem:$0x18C00] =	vst v63  }
0x159: {  	_ =	swait.ge [sflag:s31], $0x8000  }
0x15a: {  	[sflag:s31] =	ssyncset.done $0x0  }
0x15b: {  	s22 =	rddreg [dreg:$0x1c];
	[sflag:s31] =	ssyncadd.s32 $0xFFFF8000  }
0x15c: {  	[hbm4b:s22+s3] =	stream.linear.scatter [tilespmem:s4], [sflag:$0x5], $0x8000, $0x38;
	[tilespmem:$0x18C00] =	vst v63  }
0x15d: {  	s24 =	simm.s32 $0x6;
	s23 =	rddreg [dreg:$0x1d]  }
0x15e: {  	[hbm4b:s23+s3] =	stream.linear.scatter [tilespmem:s4], [sflag:$0x8], $0x8000, $0x38;
	[tilespmem:$0x18C00] =	vst v63  }
0x15f: {  	_ =	swait.ge [sflag:s24], $0x8000  }
0x160: {  	[sflag:s24] =	ssyncset.done $0x0  }
0x161: {  	s25 =	simm.s32 $0x9;
	[sflag:s24] =	ssyncadd.s32 $0xFFFF8000  }
0x162: {  	_ =	swait.ge [sflag:s25], $0x8000  }
0x163: {  	[sflag:s25] =	ssyncset.done $0x0  }
0x164: {  	[sflag:s25] =	ssyncadd.s32 $0xFFFF8000  }
0x165: {  	_ =	swait.ge [sflag:s17], $0x8000  }
0x166: {  	[sflag:s17] =	ssyncset.done $0x0  }
0x167: {  	[sflag:s17] =	ssyncadd.s32 $0xFFFF8000  }
0x168: {  	_ =	swait.ge [sflag:s18], $0x8000  }
0x169: {  	[sflag:s18] =	ssyncset.done $0x0  }
0x16a: {  	[sflag:s18] =	ssyncadd.s32 $0xFFFF8000  }
0x16b: {  	_ =	swait.ge [sflag:s2], $0x8000  }
0x16c: {  	[sflag:s2] =	ssyncset.done $0x0  }
0x16d: {  	[sflag:s2] =	ssyncadd.s32 $0xFFFF8000  }
0x16e: {  	_ =	swait.ge [sflag:s15], $0x8000  }
0x16f: {  	s9 =	sld [smem:$0x7FD];
	_ =	sdelay $0x2  }
0x170: {  	s26 =	rddreg [dreg:$0x1e];
	s9 =	sadd.s32 $0x1, s9  }
0x171: {  	s10 =	simm.s32 $0x1400;
	s11 =	simm.s32 $0x1C00;
	p0 =	sne.s32 s9, s26  }
.Ltmp1:
0x172: {  	s12 =	simm.s32 $0x2400;
	s13 =	simm.s32 $0x2C00;
	(pc) =	sbr.rel @p0 .LBB2_1-.Ltmp1, $4  }
0x173: {  	s14 =	simm.s32 $0x3400;
	s16 =	simm.s32 $0x3C00;
	s20 =	simm.s32 $0x4400  }
0x174: {  	s28 =	simm.s32 $0x7C00;
	s21 =	simm.s32 $0x4C00;
	s22 =	simm.s32 $0x5400  }
0x175: {  	s23 =	simm.s32 $0x5C00;
	s24 =	simm.s32 $0x6400;
	[sflag:s15] =	ssyncset.done $0x0  }
0x176: {  	s25 =	simm.s32 $0x6C00;
	[sflag:s15] =	ssyncadd.s32 $0xFFFF8000;
	s26 =	simm.s32 $0x7400  }
0x177: {  	_ =	sfence.sel $0x180000  }
0x178: {  	[bflag:$0x0] =	sbarrier.arrive $0xFFFF  }
0x179: {  	_ =	strace $0x90000047  }
0x17a: {  	s0 =	stileid.u32;
	[bflag:$0x2] =	sbarrier.arrive $0xFFFF  }
0x17b: {  	p0 =	sne.s32 s0, $0x0;
	s0 =	rddreg [dreg:$0x4]  }
0x17c: {  	s0 =	sadd.s32 @!p0 $0x100000, s0  }
0x17d: {  	[sflag:s0] =	ssyncadd.tile.s32 @!p0 $0x1;
	_ =	shalt  }
.Lfunc_end2:
_tile_overlayer_lowered:
.L_overlay_start_2:
0x17e: {  	(tag) =	ssettag $0x2  }
0x17f: {  	s0 =	rddreg [dreg:$0x0];
	s2 =	stileid.u32  }
0x180: {  	s1 =	rddreg [dreg:$0x1];
	p0 =	sne.s32 s2, $0x0  }
0x181: {  	s3 =	rddreg [dreg:$0x2];
	[bflag:$0x3] =	sbarrier.arrive $0xFFFF;
	s2 =	simm.s32 @!p0 $0x1C0A  }
0x182: {  	[timem:s3], [sflag:s2] =	dma.local @!p0 [hbm:s0], s1  }
0x183: {  	s0 =	simm.s32 @!p0 $0xA  }
0x184: {  	_ =	swait.ge @!p0 [sflag:s0], s1  }
0x185: {  	s1 =	ssub.s32 @!p0 $0x0, s1;
	[sflag:s0] =	ssyncset.done @!p0 $0x0  }
0x186: {  	[sflag:s0] =	ssyncadd.s32 @!p0 s1  }
0x187: {  	[bflag:$0x3] =	sbarrier.arrive $0xFFFF  }
0x188: {  	_ =	shalt  }

</sc_bundles>
